<compile_context>
chip_gen: v7x
topology: tpu7x:2x2x1
jax: 0.10.2.dev20260603
libtpu: 0.0.44.dev20260713+nightly
codegen_flags: <defaults>
</compile_context>

<pallas_src>
import functools

import jax
import jax.numpy as jnp
from jax import lax
from jax.experimental import pallas as pl
from jax.experimental.pallas import tpu as pltpu
from jax.experimental.pallas import tpu_sc as plsc

_H = 16


def _qkv_kernel(x_ref, w_ref, qkv_ref, sc_ref, *, H):
    xb = x_ref[...].astype(jnp.bfloat16)
    wb = w_ref[...].astype(jnp.bfloat16)
    acc = jax.lax.dot_general(
        xb, wb, (((1,), (1,)), ((), ())), preferred_element_type=jnp.float32
    )
    TM, C3 = acc.shape
    Ch = C3 // (3 * H)
    sq = acc[:, : C3 // 3] ** 2
    s = jnp.sqrt(sq.reshape(TM, H, Ch).sum(axis=2))
    sc_ref[...] = s.T
    qkv_ref[...] = acc.astype(jnp.bfloat16)


def _thresh_kernel(sc_ref, gk_ref, gv_ref, dst_ref, *, keep, H, N, nchunk):
    s = sc_ref[...]
    BH = s.shape[0]
    si = lax.bitcast_convert_type(s, jnp.int32)

    def body(_, lohi):
        lo, hi = lohi
        mid = lo + (hi - lo + 1) // 2
        cnt = jnp.sum((si >= mid).astype(jnp.int32), axis=1, keepdims=True)
        ok = cnt >= keep
        return jnp.where(ok, mid, lo), jnp.where(ok, hi, mid - 1)

    lo = jnp.zeros((BH, 1), jnp.int32)
    hi = jnp.full((BH, 1), 0x7F7FFFFF, jnp.int32)
    lo, _ = lax.fori_loop(0, 31, body, (lo, hi))
    gt = (si > lo).astype(jnp.int32)
    eq = (si == lo).astype(jnp.int32)
    budget = keep - jnp.sum(gt, axis=1, keepdims=True)
    eq_rank = eq
    sh = 1
    while sh < N:
        pad = jnp.zeros((BH, sh), jnp.int32)
        eq_rank = eq_rank + jnp.concatenate([pad, eq_rank[:, : N - sh]], axis=1)
        sh *= 2
    take = gt + eq * (eq_rank <= budget).astype(jnp.int32)
    pref = take
    sh = 1
    while sh < N:
        pad = jnp.zeros((BH, sh), jnp.int32)
        pref = pref + jnp.concatenate([pad, pref[:, : N - sh]], axis=1)
        sh *= 2
    pos = pref - take
    w2 = lax.broadcasted_iota(jnp.int32, (BH, N), 0)
    tok = lax.broadcasted_iota(jnp.int32, (BH, N), 1)
    krow = ((w2 // H) * N + tok) * nchunk + H + (w2 % H)
    gk_ref[...] = krow
    gv_ref[...] = krow + H
    dst_ref[...] = w2 * (keep + 1) + jnp.where(take > 0, pos, keep)


def _sc_body(gk_hbm, gv_hbm, dst_hbm, tab_hbm, kout_hbm, vout_hbm,
             gidx_v, didx_v, rows_v, semg, sems, *, N):
    w = lax.axis_index("s") * 2 + lax.axis_index("c")
    pltpu.sync_copy(dst_hbm.at[w], didx_v)
    pltpu.sync_copy(gk_hbm.at[w], gidx_v)
    pltpu.async_copy(tab_hbm.at[gidx_v], rows_v, semg).wait()
    pltpu.async_copy(rows_v, kout_hbm.at[didx_v], sems).wait()
    pltpu.sync_copy(gv_hbm.at[w], gidx_v)
    pltpu.async_copy(tab_hbm.at[gidx_v], rows_v, semg).wait()
    pltpu.async_copy(rows_v, vout_hbm.at[didx_v], sems).wait()


def _attn_kernel(q_ref, k_ref, v_ref, o_ref, *, scale, Ch):
    outs = []
    for hh in range(2):
        q = q_ref[:, hh * Ch:(hh + 1) * Ch]
        k = k_ref[hh]
        logits = jax.lax.dot_general(
            q, k, (((1,), (1,)), ((), ())), preferred_element_type=jnp.float32
        ) * scale
        logits = jnp.clip(logits, -50.0, 50.0)
        m = jnp.max(logits, axis=1, keepdims=True)
        p = jnp.exp(logits - m)
        wgt = (p / jnp.sum(p, axis=1, keepdims=True)).astype(jnp.bfloat16)
        outs.append(
            jax.lax.dot_general(
                wgt, v_ref[hh], (((1,), (0,)), ((), ())),
                preferred_element_type=jnp.float32,
            ).astype(jnp.bfloat16)
        )
    o_ref[...] = jnp.concatenate(outs, axis=1)


def _proj_kernel(a_ref, w_ref, b_ref, o_ref):
    wb = w_ref[...].astype(jnp.bfloat16)
    acc = jax.lax.dot_general(
        a_ref[...], wb, (((1,), (1,)), ((), ())),
        preferred_element_type=jnp.float32,
    )
    o_ref[...] = jnp.clip(acc + b_ref[...], -10.0, 10.0)


def kernel(x, W_qkv, W_proj, b_proj):
    B, N, C = x.shape
    H = _H
    Ch = C // H
    BN = B * N
    BH = B * H
    keep = N // 2
    scale = Ch ** (-0.5)
    nchunk = 3 * C // Ch

    x2 = x.reshape(BN, C)
    b2 = b_proj.reshape(1, C)

    TM = min(512, N)
    nrow = BN // TM
    ntile_b = N // TM

    qkv_flat, scores = pl.pallas_call(
        functools.partial(_qkv_kernel, H=H),
        grid=(nrow,),
        in_specs=[
            pl.BlockSpec((TM, C), lambda g: (g, 0)),
            pl.BlockSpec((3 * C, C), lambda g: (0, 0)),
        ],
        out_specs=[
            pl.BlockSpec((TM, 3 * C), lambda g: (g, 0)),
            pl.BlockSpec((H, TM), lambda g: (g // ntile_b, g % ntile_b)),
        ],
        out_shape=[
            jax.ShapeDtypeStruct((BN, 3 * C), jnp.bfloat16),
            jax.ShapeDtypeStruct((BH, N), jnp.float32),
        ],
    )(x2, W_qkv)

    gk, gv, dst = pl.pallas_call(
        functools.partial(_thresh_kernel, keep=keep, H=H, N=N, nchunk=nchunk),
        in_specs=[pl.BlockSpec((BH, N), lambda: (0, 0))],
        out_specs=[
            pl.BlockSpec((BH, N), lambda: (0, 0)),
            pl.BlockSpec((BH, N), lambda: (0, 0)),
            pl.BlockSpec((BH, N), lambda: (0, 0)),
        ],
        out_shape=[
            jax.ShapeDtypeStruct((BH, N), jnp.int32),
            jax.ShapeDtypeStruct((BH, N), jnp.int32),
            jax.ShapeDtypeStruct((BH, N), jnp.int32),
        ],
    )(scores)

    table = lax.bitcast_convert_type(
        qkv_flat.reshape(BN * nchunk, Ch // 2, 2), jnp.int32
    )

    mesh = plsc.VectorSubcoreMesh(core_axis_name="c", subcore_axis_name="s")
    kout, vout = pl.kernel(
        functools.partial(_sc_body, N=N),
        mesh=mesh,
        compiler_params=pltpu.CompilerParams(use_tc_tiling_on_sc=False),
        out_type=[
            jax.ShapeDtypeStruct((BH * (keep + 1), Ch // 2), jnp.int32),
            jax.ShapeDtypeStruct((BH * (keep + 1), Ch // 2), jnp.int32),
        ],
        scratch_types=[
            pltpu.VMEM((N,), jnp.int32),
            pltpu.VMEM((N,), jnp.int32),
            pltpu.VMEM((N, Ch // 2), jnp.int32),
            pltpu.SemaphoreType.DMA,
            pltpu.SemaphoreType.DMA,
        ],
    )(gk, gv, dst, table)

    ksel = lax.bitcast_convert_type(
        kout, jnp.bfloat16).reshape(BH, keep + 1, Ch)
    vsel = lax.bitcast_convert_type(
        vout, jnp.bfloat16).reshape(BH, keep + 1, Ch)

    TMq = min(512, N)
    nq = N // TMq
    H2 = H // 2

    attn_out = pl.pallas_call(
        functools.partial(_attn_kernel, scale=scale, Ch=Ch),
        grid=(B, H2, nq),
        in_specs=[
            pl.BlockSpec((TMq, 2 * Ch), lambda b, h2, qt: (b * nq + qt, h2)),
            pl.BlockSpec((2, keep, Ch), lambda b, h2, qt: (b * H2 + h2, 0, 0)),
            pl.BlockSpec((2, keep, Ch), lambda b, h2, qt: (b * H2 + h2, 0, 0)),
        ],
        out_specs=pl.BlockSpec(
            (TMq, 2 * Ch), lambda b, h2, qt: (b * nq + qt, h2)
        ),
        out_shape=jax.ShapeDtypeStruct((BN, C), jnp.bfloat16),
    )(qkv_flat, ksel, vsel)

    out = pl.pallas_call(
        _proj_kernel,
        grid=(nrow,),
        in_specs=[
            pl.BlockSpec((TM, C), lambda g: (g, 0)),
            pl.BlockSpec((C, C), lambda g: (0, 0)),
            pl.BlockSpec((1, C), lambda g: (0, 0)),
        ],
        out_specs=pl.BlockSpec((TM, C), lambda g: (g, 0)),
        out_shape=jax.ShapeDtypeStruct((BN, C), jnp.float32),
    )(attn_out, W_proj, b2)

    return out.reshape(B, N, C)

# --- scband reference (transcript-rebuilt; emitter-appended) ---
"""Pipeline reference for scband-bi-former-attention-49039936586401 (READ-ONLY COPY).

The authoritative reference and input builder live on the scoring server;
editing this copy changes nothing except your own understanding.
"""

import jax, jax.numpy as jnp
import numpy as np

DIM = 1024
NUM_HEADS = 16
SAMPLING_RATIO = 0.5
SCALE = (DIM // NUM_HEADS) ** (-0.5)


def setup_inputs(seed: int = 0) -> dict:
    key = jax.random.key(seed)
    k1, k2, k3, k4 = jax.random.split(key, 4)
    B, N, C = 2, 2048, DIM
    x = jax.random.normal(k1, (B, N, C), dtype=jnp.float32)
    # torch nn.Linear weights: [out_features, in_features]
    W_qkv = jax.random.normal(k2, (3 * C, C), dtype=jnp.float32) * (1.0 / np.sqrt(C))
    W_proj = jax.random.normal(k3, (C, C), dtype=jnp.float32) * (1.0 / np.sqrt(C))
    b_proj = jax.random.normal(k4, (C,), dtype=jnp.float32) * 0.01
    return {"x": x, "W_qkv": W_qkv, "W_proj": W_proj, "b_proj": b_proj}


def reference(x, W_qkv, W_proj, b_proj):
    B, N, C = x.shape
    H = NUM_HEADS
    Ch = C // H
    qkv = x @ W_qkv.T  # [B, N, 3C]
    qkv = qkv.reshape(B, N, 3, H, Ch).transpose(2, 0, 3, 1, 4)  # [3, B, H, N, Ch]
    q, k, v = qkv[0], qkv[1], qkv[2]
    keep_num = int(N * SAMPLING_RATIO)
    scores = jnp.linalg.norm(q, axis=-1)  # [B, H, N]
    _, keep_indices = jax.lax.top_k(scores, keep_num)  # [B, H, keep]
    idx = keep_indices[..., None]  # [B, H, keep, 1]
    k_sel = jnp.take_along_axis(k, jnp.broadcast_to(idx, (B, H, keep_num, Ch)), axis=2)
    v_sel = jnp.take_along_axis(v, jnp.broadcast_to(idx, (B, H, keep_num, Ch)), axis=2)
    attn = (q @ jnp.swapaxes(k_sel, -2, -1)) * SCALE  # [B, H, N, keep]
    attn = jnp.clip(attn, -50.0, 50.0)
    attn = jax.nn.softmax(attn, axis=-1)
    out = attn @ v_sel  # [B, H, N, Ch]
    out = out.transpose(0, 2, 1, 3).reshape(B, N, C)
    out = out @ W_proj.T + b_proj
    return jnp.clip(out, -10.0, 10.0)

if __name__ == "__main__":
    import jax
    _d = setup_inputs()
    print(jax.jit(kernel)(*tuple(_d.values())))

</pallas_src>

<mosaic_0001>
#map = affine_map<(d0, d1) -> (0, 0)>
module attributes {stable_mosaic.version = 14 : i64} {
  func.func @_sc_body(%arg0: i32, %arg1: i32, %arg2: memref<32x2048xi32, #tpu.memory_space<hbm>>, %arg3: memref<32x2048xi32, #tpu.memory_space<hbm>>, %arg4: memref<32x2048xi32, #tpu.memory_space<hbm>>, %arg5: memref<196608x32xi32, #tpu.memory_space<hbm>>, %arg6: memref<32800x32xi32, #tpu.memory_space<hbm>>, %arg7: memref<32800x32xi32, #tpu.memory_space<hbm>>, %arg8: memref<2048xi32, #tpu.memory_space<vmem>>, %arg9: memref<2048xi32, #tpu.memory_space<vmem>>, %arg10: memref<2048x32xi32, #tpu.memory_space<vmem>>, %arg11: memref<!tpu.dma_semaphore, #tpu.memory_space<semaphore_mem>>, %arg12: memref<!tpu.dma_semaphore, #tpu.memory_space<semaphore_mem>>) attributes {dimension_semantics = [#tpu.dimension_semantics<core_parallel>, #tpu.dimension_semantics<subcore_parallel>], iteration_bounds = array<i64: 2, 16>, scalar_prefetch = 0 : i64, scratch_operands = 5 : i64, tpu.core_type = #tpu.core_type<sc_vector_subcore>, window_params = [{transform_indices = #map}, {transform_indices = #map}, {transform_indices = #map}, {transform_indices = #map}, {transform_indices = #map}, {transform_indices = #map}]} {
    %mul3A = arith.constant 2 : i32
    %mul3A_0 = arith.muli %arg1, %mul3A : i32
    %add3A = arith.addi %mul3A_0, %arg0 : i32
    "tpu.region"() ({
      %run_scoped3A = tpu.sem_alloc : memref<!tpu.dma_semaphore, #tpu.memory_space<semaphore_mem>>
      %dma_start3A_23 = arith.constant 0 : i32
      %dma_start3A_24 = tpu.memref_slice %arg4[%add3A, %dma_start3A_23] : memref<32x2048xi32, #tpu.memory_space<hbm>> -> memref<1x2048xi32, #tpu.memory_space<hbm>>
      %dma_start3A_25 = tpu.memref_squeeze %dma_start3A_24 : memref<1x2048xi32, #tpu.memory_space<hbm>> -> memref<2048xi32, #tpu.memory_space<hbm>>
      %dma_start3A_26 = arith.constant 0 : i32
      %dma_start3A_27 = tpu.memref_slice %arg4[%add3A, %dma_start3A_26] : memref<32x2048xi32, #tpu.memory_space<hbm>> -> memref<1x2048xi32, #tpu.memory_space<hbm>>
      %dma_start3A_28 = tpu.memref_squeeze %dma_start3A_27 : memref<1x2048xi32, #tpu.memory_space<hbm>> -> memref<2048xi32, #tpu.memory_space<hbm>>
      tpu.enqueue_dma source(%dma_start3A_28 : memref<2048xi32, #tpu.memory_space<hbm>>) target(%arg9 : memref<2048xi32, #tpu.memory_space<vmem>>) target_semaphore(%run_scoped3A : memref<!tpu.dma_semaphore, #tpu.memory_space<semaphore_mem>>)
      %dma_wait3A_29 = arith.constant 0 : i32
      %dma_wait3A_30 = tpu.memref_slice %arg4[%add3A, %dma_wait3A_29] : memref<32x2048xi32, #tpu.memory_space<hbm>> -> memref<1x2048xi32, #tpu.memory_space<hbm>>
      %dma_wait3A_31 = tpu.memref_squeeze %dma_wait3A_30 : memref<1x2048xi32, #tpu.memory_space<hbm>> -> memref<2048xi32, #tpu.memory_space<hbm>>
      %dma_wait3A_32 = arith.constant 0 : i32
      %dma_wait3A_33 = tpu.memref_slice %arg4[%add3A, %dma_wait3A_32] : memref<32x2048xi32, #tpu.memory_space<hbm>> -> memref<1x2048xi32, #tpu.memory_space<hbm>>
      %dma_wait3A_34 = tpu.memref_squeeze %dma_wait3A_33 : memref<1x2048xi32, #tpu.memory_space<hbm>> -> memref<2048xi32, #tpu.memory_space<hbm>>
      tpu.wait_dma2 semaphore(%run_scoped3A : memref<!tpu.dma_semaphore, #tpu.memory_space<semaphore_mem>>) src(%dma_wait3A_34 : memref<2048xi32, #tpu.memory_space<hbm>>) dst(%arg9 : memref<2048xi32, #tpu.memory_space<vmem>>)
      tpu.yield
    }) : () -> ()
    "tpu.region"() ({
      %run_scoped3A = tpu.sem_alloc : memref<!tpu.dma_semaphore, #tpu.memory_space<semaphore_mem>>
      %dma_start3A_23 = arith.constant 0 : i32
      %dma_start3A_24 = tpu.memref_slice %arg2[%add3A, %dma_start3A_23] : memref<32x2048xi32, #tpu.memory_space<hbm>> -> memref<1x2048xi32, #tpu.memory_space<hbm>>
      %dma_start3A_25 = tpu.memref_squeeze %dma_start3A_24 : memref<1x2048xi32, #tpu.memory_space<hbm>> -> memref<2048xi32, #tpu.memory_space<hbm>>
      %dma_start3A_26 = arith.constant 0 : i32
      %dma_start3A_27 = tpu.memref_slice %arg2[%add3A, %dma_start3A_26] : memref<32x2048xi32, #tpu.memory_space<hbm>> -> memref<1x2048xi32, #tpu.memory_space<hbm>>
      %dma_start3A_28 = tpu.memref_squeeze %dma_start3A_27 : memref<1x2048xi32, #tpu.memory_space<hbm>> -> memref<2048xi32, #tpu.memory_space<hbm>>
      tpu.enqueue_dma source(%dma_start3A_28 : memref<2048xi32, #tpu.memory_space<hbm>>) target(%arg8 : memref<2048xi32, #tpu.memory_space<vmem>>) target_semaphore(%run_scoped3A : memref<!tpu.dma_semaphore, #tpu.memory_space<semaphore_mem>>)
      %dma_wait3A_29 = arith.constant 0 : i32
      %dma_wait3A_30 = tpu.memref_slice %arg2[%add3A, %dma_wait3A_29] : memref<32x2048xi32, #tpu.memory_space<hbm>> -> memref<1x2048xi32, #tpu.memory_space<hbm>>
      %dma_wait3A_31 = tpu.memref_squeeze %dma_wait3A_30 : memref<1x2048xi32, #tpu.memory_space<hbm>> -> memref<2048xi32, #tpu.memory_space<hbm>>
      %dma_wait3A_32 = arith.constant 0 : i32
      %dma_wait3A_33 = tpu.memref_slice %arg2[%add3A, %dma_wait3A_32] : memref<32x2048xi32, #tpu.memory_space<hbm>> -> memref<1x2048xi32, #tpu.memory_space<hbm>>
      %dma_wait3A_34 = tpu.memref_squeeze %dma_wait3A_33 : memref<1x2048xi32, #tpu.memory_space<hbm>> -> memref<2048xi32, #tpu.memory_space<hbm>>
      tpu.wait_dma2 semaphore(%run_scoped3A : memref<!tpu.dma_semaphore, #tpu.memory_space<semaphore_mem>>) src(%dma_wait3A_34 : memref<2048xi32, #tpu.memory_space<hbm>>) dst(%arg8 : memref<2048xi32, #tpu.memory_space<vmem>>)
      tpu.yield
    }) : () -> ()
    %dma_start3A = arith.constant 0 : i32
    %dma_start3A_1 = arith.constant 0 : i32
    %dma_start3A_2 = tpu.memref_slice %arg5[%dma_start3A, %dma_start3A_1] : memref<196608x32xi32, #tpu.memory_space<hbm>> -> memref<196608x32xi32, #tpu.memory_space<hbm>>
    tpu.enqueue_indirect_dma source(%dma_start3A_2 : memref<196608x32xi32, #tpu.memory_space<hbm>>) target(%arg10 : memref<2048x32xi32, #tpu.memory_space<vmem>>) offsets(%arg8 : memref<2048xi32, #tpu.memory_space<vmem>>) semaphore(%arg11 : memref<!tpu.dma_semaphore, #tpu.memory_space<semaphore_mem>>)
    %dma_wait3A = arith.constant 0 : i32
    %dma_wait3A_3 = arith.constant 0 : i32
    %dma_wait3A_4 = tpu.memref_slice %arg5[%dma_wait3A, %dma_wait3A_3] : memref<196608x32xi32, #tpu.memory_space<hbm>> -> memref<196608x32xi32, #tpu.memory_space<hbm>>
    tpu.wait_indirect_dma semaphore(%arg11 : memref<!tpu.dma_semaphore, #tpu.memory_space<semaphore_mem>>) src(%dma_wait3A_4 : memref<196608x32xi32, #tpu.memory_space<hbm>>) dst(%arg10 : memref<2048x32xi32, #tpu.memory_space<vmem>>)
    %dma_start3A_5 = arith.constant 0 : i32
    %dma_start3A_6 = arith.constant 0 : i32
    %dma_start3A_7 = tpu.memref_slice %arg6[%dma_start3A_5, %dma_start3A_6] : memref<32800x32xi32, #tpu.memory_space<hbm>> -> memref<32800x32xi32, #tpu.memory_space<hbm>>
    tpu.enqueue_indirect_dma source(%arg10 : memref<2048x32xi32, #tpu.memory_space<vmem>>) target(%dma_start3A_7 : memref<32800x32xi32, #tpu.memory_space<hbm>>) offsets(%arg9 : memref<2048xi32, #tpu.memory_space<vmem>>) semaphore(%arg12 : memref<!tpu.dma_semaphore, #tpu.memory_space<semaphore_mem>>)
    %dma_wait3A_8 = arith.constant 0 : i32
    %dma_wait3A_9 = arith.constant 0 : i32
    %dma_wait3A_10 = tpu.memref_slice %arg6[%dma_wait3A_8, %dma_wait3A_9] : memref<32800x32xi32, #tpu.memory_space<hbm>> -> memref<32800x32xi32, #tpu.memory_space<hbm>>
    tpu.wait_indirect_dma semaphore(%arg12 : memref<!tpu.dma_semaphore, #tpu.memory_space<semaphore_mem>>) src(%arg10 : memref<2048x32xi32, #tpu.memory_space<vmem>>) dst(%dma_wait3A_10 : memref<32800x32xi32, #tpu.memory_space<hbm>>)
    "tpu.region"() ({
      %run_scoped3A = tpu.sem_alloc : memref<!tpu.dma_semaphore, #tpu.memory_space<semaphore_mem>>
      %dma_start3A_23 = arith.constant 0 : i32
      %dma_start3A_24 = tpu.memref_slice %arg3[%add3A, %dma_start3A_23] : memref<32x2048xi32, #tpu.memory_space<hbm>> -> memref<1x2048xi32, #tpu.memory_space<hbm>>
      %dma_start3A_25 = tpu.memref_squeeze %dma_start3A_24 : memref<1x2048xi32, #tpu.memory_space<hbm>> -> memref<2048xi32, #tpu.memory_space<hbm>>
      %dma_start3A_26 = arith.constant 0 : i32
      %dma_start3A_27 = tpu.memref_slice %arg3[%add3A, %dma_start3A_26] : memref<32x2048xi32, #tpu.memory_space<hbm>> -> memref<1x2048xi32, #tpu.memory_space<hbm>>
      %dma_start3A_28 = tpu.memref_squeeze %dma_start3A_27 : memref<1x2048xi32, #tpu.memory_space<hbm>> -> memref<2048xi32, #tpu.memory_space<hbm>>
      tpu.enqueue_dma source(%dma_start3A_28 : memref<2048xi32, #tpu.memory_space<hbm>>) target(%arg8 : memref<2048xi32, #tpu.memory_space<vmem>>) target_semaphore(%run_scoped3A : memref<!tpu.dma_semaphore, #tpu.memory_space<semaphore_mem>>)
      %dma_wait3A_29 = arith.constant 0 : i32
      %dma_wait3A_30 = tpu.memref_slice %arg3[%add3A, %dma_wait3A_29] : memref<32x2048xi32, #tpu.memory_space<hbm>> -> memref<1x2048xi32, #tpu.memory_space<hbm>>
      %dma_wait3A_31 = tpu.memref_squeeze %dma_wait3A_30 : memref<1x2048xi32, #tpu.memory_space<hbm>> -> memref<2048xi32, #tpu.memory_space<hbm>>
      %dma_wait3A_32 = arith.constant 0 : i32
      %dma_wait3A_33 = tpu.memref_slice %arg3[%add3A, %dma_wait3A_32] : memref<32x2048xi32, #tpu.memory_space<hbm>> -> memref<1x2048xi32, #tpu.memory_space<hbm>>
      %dma_wait3A_34 = tpu.memref_squeeze %dma_wait3A_33 : memref<1x2048xi32, #tpu.memory_space<hbm>> -> memref<2048xi32, #tpu.memory_space<hbm>>
      tpu.wait_dma2 semaphore(%run_scoped3A : memref<!tpu.dma_semaphore, #tpu.memory_space<semaphore_mem>>) src(%dma_wait3A_34 : memref<2048xi32, #tpu.memory_space<hbm>>) dst(%arg8 : memref<2048xi32, #tpu.memory_space<vmem>>)
      tpu.yield
    }) : () -> ()
    %dma_start3A_11 = arith.constant 0 : i32
    %dma_start3A_12 = arith.constant 0 : i32
    %dma_start3A_13 = tpu.memref_slice %arg5[%dma_start3A_11, %dma_start3A_12] : memref<196608x32xi32, #tpu.memory_space<hbm>> -> memref<196608x32xi32, #tpu.memory_space<hbm>>
    tpu.enqueue_indirect_dma source(%dma_start3A_13 : memref<196608x32xi32, #tpu.memory_space<hbm>>) target(%arg10 : memref<2048x32xi32, #tpu.memory_space<vmem>>) offsets(%arg8 : memref<2048xi32, #tpu.memory_space<vmem>>) semaphore(%arg11 : memref<!tpu.dma_semaphore, #tpu.memory_space<semaphore_mem>>)
    %dma_wait3A_14 = arith.constant 0 : i32
    %dma_wait3A_15 = arith.constant 0 : i32
    %dma_wait3A_16 = tpu.memref_slice %arg5[%dma_wait3A_14, %dma_wait3A_15] : memref<196608x32xi32, #tpu.memory_space<hbm>> -> memref<196608x32xi32, #tpu.memory_space<hbm>>
    tpu.wait_indirect_dma semaphore(%arg11 : memref<!tpu.dma_semaphore, #tpu.memory_space<semaphore_mem>>) src(%dma_wait3A_16 : memref<196608x32xi32, #tpu.memory_space<hbm>>) dst(%arg10 : memref<2048x32xi32, #tpu.memory_space<vmem>>)
    %dma_start3A_17 = arith.constant 0 : i32
    %dma_start3A_18 = arith.constant 0 : i32
    %dma_start3A_19 = tpu.memref_slice %arg7[%dma_start3A_17, %dma_start3A_18] : memref<32800x32xi32, #tpu.memory_space<hbm>> -> memref<32800x32xi32, #tpu.memory_space<hbm>>
    tpu.enqueue_indirect_dma source(%arg10 : memref<2048x32xi32, #tpu.memory_space<vmem>>) target(%dma_start3A_19 : memref<32800x32xi32, #tpu.memory_space<hbm>>) offsets(%arg9 : memref<2048xi32, #tpu.memory_space<vmem>>) semaphore(%arg12 : memref<!tpu.dma_semaphore, #tpu.memory_space<semaphore_mem>>)
    %dma_wait3A_20 = arith.constant 0 : i32
    %dma_wait3A_21 = arith.constant 0 : i32
    %dma_wait3A_22 = tpu.memref_slice %arg7[%dma_wait3A_20, %dma_wait3A_21] : memref<32800x32xi32, #tpu.memory_space<hbm>> -> memref<32800x32xi32, #tpu.memory_space<hbm>>
    tpu.wait_indirect_dma semaphore(%arg12 : memref<!tpu.dma_semaphore, #tpu.memory_space<semaphore_mem>>) src(%arg10 : memref<2048x32xi32, #tpu.memory_space<vmem>>) dst(%dma_wait3A_22 : memref<32800x32xi32, #tpu.memory_space<hbm>>)
    return
  }
}

module attributes {stable_mosaic.version = 14 : i64} {
  func.func @_thresh_kernel(%arg0: memref<32x2048xf32, #tpu.memory_space<vmem>>, %arg1: memref<32x2048xi32, #tpu.memory_space<vmem>>, %arg2: memref<32x2048xi32, #tpu.memory_space<vmem>>, %arg3: memref<32x2048xi32, #tpu.memory_space<vmem>>) attributes {dimension_semantics = [], scalar_prefetch = 0 : i64, scratch_operands = 0 : i64, tpu.core_type = #tpu.core_type<tc>} {
    %get3A = arith.constant 0 : index
    %get3A_0 = arith.constant 0 : index
    %get3A_1 = vector.load %arg0[%get3A, %get3A_0] : memref<32x2048xf32, #tpu.memory_space<vmem>>, vector<32x2048xf32>
    %bitcast_convert_type3A = tpu.bitcast %get3A_1 : vector<32x2048xf32> -> vector<32x2048xi32>
    %broadcast_in_dim3A = arith.constant 0 : i32
    %broadcast_in_dim3A_2 = vector.broadcast %broadcast_in_dim3A : i32 to vector<32x1xi32>
    %broadcast_in_dim3A_3 = arith.constant 2139095039 : i32
    %broadcast_in_dim3A_4 = vector.broadcast %broadcast_in_dim3A_3 : i32 to vector<32x1xi32>
    %scan3A = arith.constant 0 : i32
    %scan3A_5 = arith.constant 31 : i32
    %scan3A_6 = arith.addi %scan3A, %scan3A_5 : i32
    %scan3A_7 = arith.constant 1 : i32
    %scan3A_8:2 = scf.for %scan3A_205 = %scan3A to %scan3A_6 step %scan3A_7 iter_args(%scan3A_206 = %broadcast_in_dim3A_2, %scan3A_207 = %broadcast_in_dim3A_4) -> (vector<32x1xi32>, vector<32x1xi32>)  : i32 {
      %sub3A_208 = arith.subi %scan3A_207, %scan3A_206 : vector<32x1xi32>
      %add3A_209 = arith.constant 1 : i32
      %add3A_210 = vector.broadcast %add3A_209 : i32 to vector<32x1xi32>
      %add3A_211 = arith.addi %sub3A_208, %add3A_210 : vector<32x1xi32>
      %jit3A_212 = arith.constant 2 : i32
      %div3A_213 = vector.broadcast %jit3A_212 : i32 to vector<32x1xi32>
      %div3A_214 = arith.divsi %add3A_211, %div3A_213 : vector<32x1xi32>
      %sign3A_215 = arith.constant 0 : i32
      %sign3A_216 = vector.broadcast %sign3A_215 : i32 to vector<32x1xi32>
      %sign3A_217 = arith.cmpi sgt, %add3A_211, %sign3A_216 : vector<32x1xi32>
      %sign3A_218 = arith.extui %sign3A_217 : vector<32x1xi1> to vector<32x1xi32>
      %sign3A_219 = arith.constant 0 : i32
      %sign3A_220 = vector.broadcast %sign3A_219 : i32 to vector<32x1xi32>
      %sign3A_221 = arith.cmpi slt, %add3A_211, %sign3A_220 : vector<32x1xi32>
      %sign3A_222 = arith.extui %sign3A_221 : vector<32x1xi1> to vector<32x1xi32>
      %sign3A_223 = arith.subi %sign3A_218, %sign3A_222 : vector<32x1xi32>
      %sign3A_224 = arith.constant 0 : i32
      %sign3A_225 = arith.cmpi sgt, %jit3A_212, %sign3A_224 : i32
      %sign3A_226 = arith.extui %sign3A_225 : i1 to i32
      %sign3A_227 = arith.constant 0 : i32
      %sign3A_228 = arith.cmpi slt, %jit3A_212, %sign3A_227 : i32
      %sign3A_229 = arith.extui %sign3A_228 : i1 to i32
      %sign3A_230 = arith.subi %sign3A_226, %sign3A_229 : i32
      %ne3A_231 = vector.broadcast %sign3A_230 : i32 to vector<32x1xi32>
      %ne3A_232 = arith.cmpi ne, %sign3A_223, %ne3A_231 : vector<32x1xi32>
      %rem3A_233 = vector.broadcast %jit3A_212 : i32 to vector<32x1xi32>
      %rem3A_234 = arith.remsi %add3A_211, %rem3A_233 : vector<32x1xi32>
      %ne3A_235 = arith.constant 0 : i32
      %ne3A_236 = vector.broadcast %ne3A_235 : i32 to vector<32x1xi32>
      %ne3A_237 = arith.cmpi ne, %rem3A_234, %ne3A_236 : vector<32x1xi32>
      %and3A_238 = arith.andi %ne3A_232, %ne3A_237 : vector<32x1xi1>
      %sub3A_239 = arith.constant 1 : i32
      %sub3A_240 = vector.broadcast %sub3A_239 : i32 to vector<32x1xi32>
      %sub3A_241 = arith.subi %div3A_214, %sub3A_240 : vector<32x1xi32>
      %select_n3A_242 = arith.select %and3A_238, %sub3A_241, %div3A_214 : vector<32x1xi1>, vector<32x1xi32>
      %add3A_243 = arith.addi %scan3A_206, %select_n3A_242 : vector<32x1xi32>
      %ge3A = vector.broadcast %add3A_243 : vector<32x1xi32> to vector<32x2048xi32>
      %ge3A_244 = arith.cmpi sge, %bitcast_convert_type3A, %ge3A : vector<32x2048xi32>
      %convert_element_type3A_245 = arith.extui %ge3A_244 : vector<32x2048xi1> to vector<32x2048xi32>
      %reduce_sum3A_246 = arith.constant dense<0> : vector<32xi32>
      %reduce_sum3A_247 = vector.multi_reduction <add>, %convert_element_type3A_245, %reduce_sum3A_246 [1] : vector<32x2048xi32> to vector<32xi32>
      %broadcast_in_dim3A_248 = vector.shape_cast %reduce_sum3A_247 : vector<32xi32> to vector<32x1xi32>
      %ge3A_249 = arith.constant 1024 : i32
      %ge3A_250 = vector.broadcast %ge3A_249 : i32 to vector<32x1xi32>
      %ge3A_251 = arith.cmpi sge, %broadcast_in_dim3A_248, %ge3A_250 : vector<32x1xi32>
      %select_n3A_252 = arith.select %ge3A_251, %add3A_243, %scan3A_206 : vector<32x1xi1>, vector<32x1xi32>
      %sub3A_253 = arith.constant 1 : i32
      %sub3A_254 = vector.broadcast %sub3A_253 : i32 to vector<32x1xi32>
      %sub3A_255 = arith.subi %add3A_243, %sub3A_254 : vector<32x1xi32>
      %select_n3A_256 = arith.select %ge3A_251, %scan3A_207, %sub3A_255 : vector<32x1xi1>, vector<32x1xi32>
      scf.yield %select_n3A_252, %select_n3A_256 : vector<32x1xi32>, vector<32x1xi32>
    }
    %gt3A = vector.broadcast %scan3A_8#0 : vector<32x1xi32> to vector<32x2048xi32>
    %gt3A_9 = arith.cmpi sgt, %bitcast_convert_type3A, %gt3A : vector<32x2048xi32>
    %convert_element_type3A = arith.extui %gt3A_9 : vector<32x2048xi1> to vector<32x2048xi32>
    %eq3A = vector.broadcast %scan3A_8#0 : vector<32x1xi32> to vector<32x2048xi32>
    %eq3A_10 = arith.cmpi eq, %bitcast_convert_type3A, %eq3A : vector<32x2048xi32>
    %convert_element_type3A_11 = arith.extui %eq3A_10 : vector<32x2048xi1> to vector<32x2048xi32>
    %reduce_sum3A = arith.constant dense<0> : vector<32xi32>
    %reduce_sum3A_12 = vector.multi_reduction <add>, %convert_element_type3A, %reduce_sum3A [1] : vector<32x2048xi32> to vector<32xi32>
    %broadcast_in_dim3A_13 = vector.shape_cast %reduce_sum3A_12 : vector<32xi32> to vector<32x1xi32>
    %sub3A = arith.constant 1024 : i32
    %sub3A_14 = vector.broadcast %sub3A : i32 to vector<32x1xi32>
    %sub3A_15 = arith.subi %sub3A_14, %broadcast_in_dim3A_13 : vector<32x1xi32>
    %broadcast_in_dim3A_16 = arith.constant 0 : i32
    %broadcast_in_dim3A_17 = vector.broadcast %broadcast_in_dim3A_16 : i32 to vector<32x1xi32>
    %slice3A = vector.extract_strided_slice %convert_element_type3A_11 {offsets = [0, 0], sizes = [32, 2047], strides = [1, 1]} : vector<32x2048xi32> to vector<32x2047xi32>
    %concatenate3A = tpu.concatenate %broadcast_in_dim3A_17, %slice3A in 1 : vector<32x1xi32>, vector<32x2047xi32> -> vector<32x2048xi32>
    %add3A = arith.addi %convert_element_type3A_11, %concatenate3A : vector<32x2048xi32>
    %broadcast_in_dim3A_18 = arith.constant 0 : i32
    %broadcast_in_dim3A_19 = vector.broadcast %broadcast_in_dim3A_18 : i32 to vector<32x2xi32>
    %slice3A_20 = vector.extract_strided_slice %add3A {offsets = [0, 0], sizes = [32, 2046], strides = [1, 1]} : vector<32x2048xi32> to vector<32x2046xi32>
    %concatenate3A_21 = tpu.concatenate %broadcast_in_dim3A_19, %slice3A_20 in 1 : vector<32x2xi32>, vector<32x2046xi32> -> vector<32x2048xi32>
    %add3A_22 = arith.addi %add3A, %concatenate3A_21 : vector<32x2048xi32>
    %broadcast_in_dim3A_23 = arith.constant 0 : i32
    %broadcast_in_dim3A_24 = vector.broadcast %broadcast_in_dim3A_23 : i32 to vector<32x4xi32>
    %slice3A_25 = vector.extract_strided_slice %add3A_22 {offsets = [0, 0], sizes = [32, 2044], strides = [1, 1]} : vector<32x2048xi32> to vector<32x2044xi32>
    %concatenate3A_26 = tpu.concatenate %broadcast_in_dim3A_24, %slice3A_25 in 1 : vector<32x4xi32>, vector<32x2044xi32> -> vector<32x2048xi32>
    %add3A_27 = arith.addi %add3A_22, %concatenate3A_26 : vector<32x2048xi32>
    %broadcast_in_dim3A_28 = arith.constant 0 : i32
    %broadcast_in_dim3A_29 = vector.broadcast %broadcast_in_dim3A_28 : i32 to vector<32x8xi32>
    %slice3A_30 = vector.extract_strided_slice %add3A_27 {offsets = [0, 0], sizes = [32, 2040], strides = [1, 1]} : vector<32x2048xi32> to vector<32x2040xi32>
    %concatenate3A_31 = tpu.concatenate %broadcast_in_dim3A_29, %slice3A_30 in 1 : vector<32x8xi32>, vector<32x2040xi32> -> vector<32x2048xi32>
    %add3A_32 = arith.addi %add3A_27, %concatenate3A_31 : vector<32x2048xi32>
    %broadcast_in_dim3A_33 = arith.constant 0 : i32
    %broadcast_in_dim3A_34 = vector.broadcast %broadcast_in_dim3A_33 : i32 to vector<32x16xi32>
    %slice3A_35 = vector.extract_strided_slice %add3A_32 {offsets = [0, 0], sizes = [32, 2032], strides = [1, 1]} : vector<32x2048xi32> to vector<32x2032xi32>
    %concatenate3A_36 = tpu.concatenate %broadcast_in_dim3A_34, %slice3A_35 in 1 : vector<32x16xi32>, vector<32x2032xi32> -> vector<32x2048xi32>
    %add3A_37 = arith.addi %add3A_32, %concatenate3A_36 : vector<32x2048xi32>
    %broadcast_in_dim3A_38 = arith.constant 0 : i32
    %broadcast_in_dim3A_39 = vector.broadcast %broadcast_in_dim3A_38 : i32 to vector<32x32xi32>
    %slice3A_40 = vector.extract_strided_slice %add3A_37 {offsets = [0, 0], sizes = [32, 2016], strides = [1, 1]} : vector<32x2048xi32> to vector<32x2016xi32>
    %concatenate3A_41 = tpu.concatenate %broadcast_in_dim3A_39, %slice3A_40 in 1 : vector<32x32xi32>, vector<32x2016xi32> -> vector<32x2048xi32>
    %add3A_42 = arith.addi %add3A_37, %concatenate3A_41 : vector<32x2048xi32>
    %broadcast_in_dim3A_43 = arith.constant 0 : i32
    %broadcast_in_dim3A_44 = vector.broadcast %broadcast_in_dim3A_43 : i32 to vector<32x64xi32>
    %slice3A_45 = vector.extract_strided_slice %add3A_42 {offsets = [0, 0], sizes = [32, 1984], strides = [1, 1]} : vector<32x2048xi32> to vector<32x1984xi32>
    %concatenate3A_46 = tpu.concatenate %broadcast_in_dim3A_44, %slice3A_45 in 1 : vector<32x64xi32>, vector<32x1984xi32> -> vector<32x2048xi32>
    %add3A_47 = arith.addi %add3A_42, %concatenate3A_46 : vector<32x2048xi32>
    %broadcast_in_dim3A_48 = arith.constant 0 : i32
    %broadcast_in_dim3A_49 = vector.broadcast %broadcast_in_dim3A_48 : i32 to vector<32x128xi32>
    %slice3A_50 = vector.extract_strided_slice %add3A_47 {offsets = [0, 0], sizes = [32, 1920], strides = [1, 1]} : vector<32x2048xi32> to vector<32x1920xi32>
    %concatenate3A_51 = tpu.concatenate %broadcast_in_dim3A_49, %slice3A_50 in 1 : vector<32x128xi32>, vector<32x1920xi32> -> vector<32x2048xi32>
    %add3A_52 = arith.addi %add3A_47, %concatenate3A_51 : vector<32x2048xi32>
    %broadcast_in_dim3A_53 = arith.constant 0 : i32
    %broadcast_in_dim3A_54 = vector.broadcast %broadcast_in_dim3A_53 : i32 to vector<32x256xi32>
    %slice3A_55 = vector.extract_strided_slice %add3A_52 {offsets = [0, 0], sizes = [32, 1792], strides = [1, 1]} : vector<32x2048xi32> to vector<32x1792xi32>
    %concatenate3A_56 = tpu.concatenate %broadcast_in_dim3A_54, %slice3A_55 in 1 : vector<32x256xi32>, vector<32x1792xi32> -> vector<32x2048xi32>
    %add3A_57 = arith.addi %add3A_52, %concatenate3A_56 : vector<32x2048xi32>
    %broadcast_in_dim3A_58 = arith.constant 0 : i32
    %broadcast_in_dim3A_59 = vector.broadcast %broadcast_in_dim3A_58 : i32 to vector<32x512xi32>
    %slice3A_60 = vector.extract_strided_slice %add3A_57 {offsets = [0, 0], sizes = [32, 1536], strides = [1, 1]} : vector<32x2048xi32> to vector<32x1536xi32>
    %concatenate3A_61 = tpu.concatenate %broadcast_in_dim3A_59, %slice3A_60 in 1 : vector<32x512xi32>, vector<32x1536xi32> -> vector<32x2048xi32>
    %add3A_62 = arith.addi %add3A_57, %concatenate3A_61 : vector<32x2048xi32>
    %broadcast_in_dim3A_63 = arith.constant 0 : i32
    %broadcast_in_dim3A_64 = vector.broadcast %broadcast_in_dim3A_63 : i32 to vector<32x1024xi32>
    %slice3A_65 = vector.extract_strided_slice %add3A_62 {offsets = [0, 0], sizes = [32, 1024], strides = [1, 1]} : vector<32x2048xi32> to vector<32x1024xi32>
    %concatenate3A_66 = tpu.concatenate %broadcast_in_dim3A_64, %slice3A_65 in 1 : vector<32x1024xi32>, vector<32x1024xi32> -> vector<32x2048xi32>
    %add3A_67 = arith.addi %add3A_62, %concatenate3A_66 : vector<32x2048xi32>
    %le3A = vector.broadcast %sub3A_15 : vector<32x1xi32> to vector<32x2048xi32>
    %le3A_68 = arith.cmpi sle, %add3A_67, %le3A : vector<32x2048xi32>
    %convert_element_type3A_69 = arith.extui %le3A_68 : vector<32x2048xi1> to vector<32x2048xi32>
    %mul3A = arith.muli %convert_element_type3A_11, %convert_element_type3A_69 : vector<32x2048xi32>
    %add3A_70 = arith.addi %convert_element_type3A, %mul3A : vector<32x2048xi32>
    %broadcast_in_dim3A_71 = arith.constant 0 : i32
    %broadcast_in_dim3A_72 = vector.broadcast %broadcast_in_dim3A_71 : i32 to vector<32x1xi32>
    %slice3A_73 = vector.extract_strided_slice %add3A_70 {offsets = [0, 0], sizes = [32, 2047], strides = [1, 1]} : vector<32x2048xi32> to vector<32x2047xi32>
    %concatenate3A_74 = tpu.concatenate %broadcast_in_dim3A_72, %slice3A_73 in 1 : vector<32x1xi32>, vector<32x2047xi32> -> vector<32x2048xi32>
    %add3A_75 = arith.addi %add3A_70, %concatenate3A_74 : vector<32x2048xi32>
    %broadcast_in_dim3A_76 = arith.constant 0 : i32
    %broadcast_in_dim3A_77 = vector.broadcast %broadcast_in_dim3A_76 : i32 to vector<32x2xi32>
    %slice3A_78 = vector.extract_strided_slice %add3A_75 {offsets = [0, 0], sizes = [32, 2046], strides = [1, 1]} : vector<32x2048xi32> to vector<32x2046xi32>
    %concatenate3A_79 = tpu.concatenate %broadcast_in_dim3A_77, %slice3A_78 in 1 : vector<32x2xi32>, vector<32x2046xi32> -> vector<32x2048xi32>
    %add3A_80 = arith.addi %add3A_75, %concatenate3A_79 : vector<32x2048xi32>
    %broadcast_in_dim3A_81 = arith.constant 0 : i32
    %broadcast_in_dim3A_82 = vector.broadcast %broadcast_in_dim3A_81 : i32 to vector<32x4xi32>
    %slice3A_83 = vector.extract_strided_slice %add3A_80 {offsets = [0, 0], sizes = [32, 2044], strides = [1, 1]} : vector<32x2048xi32> to vector<32x2044xi32>
    %concatenate3A_84 = tpu.concatenate %broadcast_in_dim3A_82, %slice3A_83 in 1 : vector<32x4xi32>, vector<32x2044xi32> -> vector<32x2048xi32>
    %add3A_85 = arith.addi %add3A_80, %concatenate3A_84 : vector<32x2048xi32>
    %broadcast_in_dim3A_86 = arith.constant 0 : i32
    %broadcast_in_dim3A_87 = vector.broadcast %broadcast_in_dim3A_86 : i32 to vector<32x8xi32>
    %slice3A_88 = vector.extract_strided_slice %add3A_85 {offsets = [0, 0], sizes = [32, 2040], strides = [1, 1]} : vector<32x2048xi32> to vector<32x2040xi32>
    %concatenate3A_89 = tpu.concatenate %broadcast_in_dim3A_87, %slice3A_88 in 1 : vector<32x8xi32>, vector<32x2040xi32> -> vector<32x2048xi32>
    %add3A_90 = arith.addi %add3A_85, %concatenate3A_89 : vector<32x2048xi32>
    %broadcast_in_dim3A_91 = arith.constant 0 : i32
    %broadcast_in_dim3A_92 = vector.broadcast %broadcast_in_dim3A_91 : i32 to vector<32x16xi32>
    %slice3A_93 = vector.extract_strided_slice %add3A_90 {offsets = [0, 0], sizes = [32, 2032], strides = [1, 1]} : vector<32x2048xi32> to vector<32x2032xi32>
    %concatenate3A_94 = tpu.concatenate %broadcast_in_dim3A_92, %slice3A_93 in 1 : vector<32x16xi32>, vector<32x2032xi32> -> vector<32x2048xi32>
    %add3A_95 = arith.addi %add3A_90, %concatenate3A_94 : vector<32x2048xi32>
    %broadcast_in_dim3A_96 = arith.constant 0 : i32
    %broadcast_in_dim3A_97 = vector.broadcast %broadcast_in_dim3A_96 : i32 to vector<32x32xi32>
    %slice3A_98 = vector.extract_strided_slice %add3A_95 {offsets = [0, 0], sizes = [32, 2016], strides = [1, 1]} : vector<32x2048xi32> to vector<32x2016xi32>
    %concatenate3A_99 = tpu.concatenate %broadcast_in_dim3A_97, %slice3A_98 in 1 : vector<32x32xi32>, vector<32x2016xi32> -> vector<32x2048xi32>
    %add3A_100 = arith.addi %add3A_95, %concatenate3A_99 : vector<32x2048xi32>
    %broadcast_in_dim3A_101 = arith.constant 0 : i32
    %broadcast_in_dim3A_102 = vector.broadcast %broadcast_in_dim3A_101 : i32 to vector<32x64xi32>
    %slice3A_103 = vector.extract_strided_slice %add3A_100 {offsets = [0, 0], sizes = [32, 1984], strides = [1, 1]} : vector<32x2048xi32> to vector<32x1984xi32>
    %concatenate3A_104 = tpu.concatenate %broadcast_in_dim3A_102, %slice3A_103 in 1 : vector<32x64xi32>, vector<32x1984xi32> -> vector<32x2048xi32>
    %add3A_105 = arith.addi %add3A_100, %concatenate3A_104 : vector<32x2048xi32>
    %broadcast_in_dim3A_106 = arith.constant 0 : i32
    %broadcast_in_dim3A_107 = vector.broadcast %broadcast_in_dim3A_106 : i32 to vector<32x128xi32>
    %slice3A_108 = vector.extract_strided_slice %add3A_105 {offsets = [0, 0], sizes = [32, 1920], strides = [1, 1]} : vector<32x2048xi32> to vector<32x1920xi32>
    %concatenate3A_109 = tpu.concatenate %broadcast_in_dim3A_107, %slice3A_108 in 1 : vector<32x128xi32>, vector<32x1920xi32> -> vector<32x2048xi32>
    %add3A_110 = arith.addi %add3A_105, %concatenate3A_109 : vector<32x2048xi32>
    %broadcast_in_dim3A_111 = arith.constant 0 : i32
    %broadcast_in_dim3A_112 = vector.broadcast %broadcast_in_dim3A_111 : i32 to vector<32x256xi32>
    %slice3A_113 = vector.extract_strided_slice %add3A_110 {offsets = [0, 0], sizes = [32, 1792], strides = [1, 1]} : vector<32x2048xi32> to vector<32x1792xi32>
    %concatenate3A_114 = tpu.concatenate %broadcast_in_dim3A_112, %slice3A_113 in 1 : vector<32x256xi32>, vector<32x1792xi32> -> vector<32x2048xi32>
    %add3A_115 = arith.addi %add3A_110, %concatenate3A_114 : vector<32x2048xi32>
    %broadcast_in_dim3A_116 = arith.constant 0 : i32
    %broadcast_in_dim3A_117 = vector.broadcast %broadcast_in_dim3A_116 : i32 to vector<32x512xi32>
    %slice3A_118 = vector.extract_strided_slice %add3A_115 {offsets = [0, 0], sizes = [32, 1536], strides = [1, 1]} : vector<32x2048xi32> to vector<32x1536xi32>
    %concatenate3A_119 = tpu.concatenate %broadcast_in_dim3A_117, %slice3A_118 in 1 : vector<32x512xi32>, vector<32x1536xi32> -> vector<32x2048xi32>
    %add3A_120 = arith.addi %add3A_115, %concatenate3A_119 : vector<32x2048xi32>
    %broadcast_in_dim3A_121 = arith.constant 0 : i32
    %broadcast_in_dim3A_122 = vector.broadcast %broadcast_in_dim3A_121 : i32 to vector<32x1024xi32>
    %slice3A_123 = vector.extract_strided_slice %add3A_120 {offsets = [0, 0], sizes = [32, 1024], strides = [1, 1]} : vector<32x2048xi32> to vector<32x1024xi32>
    %concatenate3A_124 = tpu.concatenate %broadcast_in_dim3A_122, %slice3A_123 in 1 : vector<32x1024xi32>, vector<32x1024xi32> -> vector<32x2048xi32>
    %add3A_125 = arith.addi %add3A_120, %concatenate3A_124 : vector<32x2048xi32>
    %sub3A_126 = arith.subi %add3A_125, %add3A_70 : vector<32x2048xi32>
    %iota3A = tpu.iota {dimensions = array<i32: 0>} : vector<32x2048xi32>
    %iota3A_127 = tpu.iota {dimensions = array<i32: 1>} : vector<32x2048xi32>
    %jit3A = arith.constant 16 : i32
    %div3A = vector.broadcast %jit3A : i32 to vector<32x2048xi32>
    %div3A_128 = arith.divsi %iota3A, %div3A : vector<32x2048xi32>
    %sign3A = arith.constant 0 : i32
    %sign3A_129 = vector.broadcast %sign3A : i32 to vector<32x2048xi32>
    %sign3A_130 = arith.cmpi sgt, %iota3A, %sign3A_129 : vector<32x2048xi32>
    %sign3A_131 = arith.extui %sign3A_130 : vector<32x2048xi1> to vector<32x2048xi32>
    %sign3A_132 = arith.constant 0 : i32
    %sign3A_133 = vector.broadcast %sign3A_132 : i32 to vector<32x2048xi32>
    %sign3A_134 = arith.cmpi slt, %iota3A, %sign3A_133 : vector<32x2048xi32>
    %sign3A_135 = arith.extui %sign3A_134 : vector<32x2048xi1> to vector<32x2048xi32>
    %sign3A_136 = arith.subi %sign3A_131, %sign3A_135 : vector<32x2048xi32>
    %sign3A_137 = arith.constant 0 : i32
    %sign3A_138 = arith.cmpi sgt, %jit3A, %sign3A_137 : i32
    %sign3A_139 = arith.extui %sign3A_138 : i1 to i32
    %sign3A_140 = arith.constant 0 : i32
    %sign3A_141 = arith.cmpi slt, %jit3A, %sign3A_140 : i32
    %sign3A_142 = arith.extui %sign3A_141 : i1 to i32
    %sign3A_143 = arith.subi %sign3A_139, %sign3A_142 : i32
    %ne3A = vector.broadcast %sign3A_143 : i32 to vector<32x2048xi32>
    %ne3A_144 = arith.cmpi ne, %sign3A_136, %ne3A : vector<32x2048xi32>
    %rem3A = vector.broadcast %jit3A : i32 to vector<32x2048xi32>
    %rem3A_145 = arith.remsi %iota3A, %rem3A : vector<32x2048xi32>
    %ne3A_146 = arith.constant 0 : i32
    %ne3A_147 = vector.broadcast %ne3A_146 : i32 to vector<32x2048xi32>
    %ne3A_148 = arith.cmpi ne, %rem3A_145, %ne3A_147 : vector<32x2048xi32>
    %and3A = arith.andi %ne3A_144, %ne3A_148 : vector<32x2048xi1>
    %sub3A_149 = arith.constant 1 : i32
    %sub3A_150 = vector.broadcast %sub3A_149 : i32 to vector<32x2048xi32>
    %sub3A_151 = arith.subi %div3A_128, %sub3A_150 : vector<32x2048xi32>
    %select_n3A = arith.select %and3A, %sub3A_151, %div3A_128 : vector<32x2048xi1>, vector<32x2048xi32>
    %mul3A_152 = arith.constant 2048 : i32
    %mul3A_153 = vector.broadcast %mul3A_152 : i32 to vector<32x2048xi32>
    %mul3A_154 = arith.muli %select_n3A, %mul3A_153 : vector<32x2048xi32>
    %add3A_155 = arith.addi %mul3A_154, %iota3A_127 : vector<32x2048xi32>
    %mul3A_156 = arith.constant 48 : i32
    %mul3A_157 = vector.broadcast %mul3A_156 : i32 to vector<32x2048xi32>
    %mul3A_158 = arith.muli %add3A_155, %mul3A_157 : vector<32x2048xi32>
    %add3A_159 = arith.constant 16 : i32
    %add3A_160 = vector.broadcast %add3A_159 : i32 to vector<32x2048xi32>
    %add3A_161 = arith.addi %mul3A_158, %add3A_160 : vector<32x2048xi32>
    %jit3A_162 = arith.constant 16 : i32
    %eq3A_163 = arith.constant 0 : i32
    %eq3A_164 = arith.cmpi eq, %jit3A_162, %eq3A_163 : i32
    %jit3A_165 = arith.constant 1 : i32
    %select_n3A_166 = arith.select %eq3A_164, %jit3A_165, %jit3A_162 : i32
    %rem3A_167 = vector.broadcast %select_n3A_166 : i32 to vector<32x2048xi32>
    %rem3A_168 = arith.remsi %iota3A, %rem3A_167 : vector<32x2048xi32>
    %ne3A_169 = arith.constant 0 : i32
    %ne3A_170 = vector.broadcast %ne3A_169 : i32 to vector<32x2048xi32>
    %ne3A_171 = arith.cmpi ne, %rem3A_168, %ne3A_170 : vector<32x2048xi32>
    %lt3A = arith.constant 0 : i32
    %lt3A_172 = vector.broadcast %lt3A : i32 to vector<32x2048xi32>
    %lt3A_173 = arith.cmpi slt, %rem3A_168, %lt3A_172 : vector<32x2048xi32>
    %lt3A_174 = arith.constant 0 : i32
    %lt3A_175 = arith.cmpi slt, %select_n3A_166, %lt3A_174 : i32
    %ne3A_176 = vector.broadcast %lt3A_175 : i1 to vector<32x2048xi1>
    %ne3A_177 = vector.broadcast %ne3A_176 : vector<32x2048xi1> to vector<32x2048xi1>
    %ne3A_178 = arith.xori %lt3A_173, %ne3A_177 : vector<32x2048xi1>
    %and3A_179 = arith.andi %ne3A_178, %ne3A_171 : vector<32x2048xi1>
    %add3A_180 = vector.broadcast %select_n3A_166 : i32 to vector<32x2048xi32>
    %add3A_181 = arith.addi %rem3A_168, %add3A_180 : vector<32x2048xi32>
    %select_n3A_182 = arith.select %and3A_179, %add3A_181, %rem3A_168 : vector<32x2048xi1>, vector<32x2048xi32>
    %add3A_183 = arith.addi %add3A_161, %select_n3A_182 : vector<32x2048xi32>
    %swap3A = arith.constant 0 : index
    %swap3A_184 = arith.constant 0 : index
    %swap3A_185 = vector.load %arg1[%swap3A, %swap3A_184] : memref<32x2048xi32, #tpu.memory_space<vmem>>, vector<32x2048xi32>
    tpu.vector_store %arg1[%swap3A, %swap3A_184], %add3A_183 {strides = array<i32>} : memref<32x2048xi32, #tpu.memory_space<vmem>>, vector<32x2048xi32>,
    %add3A_186 = arith.constant 16 : i32
    %add3A_187 = vector.broadcast %add3A_186 : i32 to vector<32x2048xi32>
    %add3A_188 = arith.addi %add3A_183, %add3A_187 : vector<32x2048xi32>
    %swap3A_189 = arith.constant 0 : index
    %swap3A_190 = arith.constant 0 : index
    %swap3A_191 = vector.load %arg2[%swap3A_189, %swap3A_190] : memref<32x2048xi32, #tpu.memory_space<vmem>>, vector<32x2048xi32>
    tpu.vector_store %arg2[%swap3A_189, %swap3A_190], %add3A_188 {strides = array<i32>} : memref<32x2048xi32, #tpu.memory_space<vmem>>, vector<32x2048xi32>,
    %mul3A_192 = arith.constant 1025 : i32
    %mul3A_193 = vector.broadcast %mul3A_192 : i32 to vector<32x2048xi32>
    %mul3A_194 = arith.muli %iota3A, %mul3A_193 : vector<32x2048xi32>
    %gt3A_195 = arith.constant 0 : i32
    %gt3A_196 = vector.broadcast %gt3A_195 : i32 to vector<32x2048xi32>
    %gt3A_197 = arith.cmpi sgt, %add3A_70, %gt3A_196 : vector<32x2048xi32>
    %jit3A_198 = arith.constant 1024 : i32
    %broadcast_in_dim3A_199 = vector.broadcast %jit3A_198 : i32 to vector<32x2048xi32>
    %select_n3A_200 = arith.select %gt3A_197, %sub3A_126, %broadcast_in_dim3A_199 : vector<32x2048xi1>, vector<32x2048xi32>
    %add3A_201 = arith.addi %mul3A_194, %select_n3A_200 : vector<32x2048xi32>
    %swap3A_202 = arith.constant 0 : index
    %swap3A_203 = arith.constant 0 : index
    %swap3A_204 = vector.load %arg3[%swap3A_202, %swap3A_203] : memref<32x2048xi32, #tpu.memory_space<vmem>>, vector<32x2048xi32>
    tpu.vector_store %arg3[%swap3A_202, %swap3A_203], %add3A_201 {strides = array<i32>} : memref<32x2048xi32, #tpu.memory_space<vmem>>, vector<32x2048xi32>,
    return
  }
}

module attributes {stable_mosaic.version = 14 : i64} {
  func.func @_qkv_kernel(%arg0: i32, %arg1: memref<512x1024xf32, #tpu.memory_space<vmem>>, %arg2: memref<3072x1024xf32, #tpu.memory_space<vmem>>, %arg3: memref<512x3072xbf16, #tpu.memory_space<vmem>>, %arg4: memref<16x512xf32, #tpu.memory_space<vmem>>) attributes {dimension_semantics = [#tpu.dimension_semantics<arbitrary>], iteration_bounds = array<i64: 8>, scalar_prefetch = 0 : i64, scratch_operands = 0 : i64, tpu.core_type = #tpu.core_type<tc>, window_params = [{transform_indices = @transform_0, window_bounds = array<i64: 512, 1024>}, {pipeline_mode = #tpu.pipeline_mode<synchronous>, transform_indices = @transform_1, window_bounds = array<i64: 3072, 1024>}, {transform_indices = @transform_2, window_bounds = array<i64: 512, 3072>}, {transform_indices = @transform_3, window_bounds = array<i64: 16, 512>}]} {
    %get3A = arith.constant 0 : index
    %get3A_0 = arith.constant 0 : index
    %get3A_1 = vector.load %arg1[%get3A, %get3A_0] : memref<512x1024xf32, #tpu.memory_space<vmem>>, vector<512x1024xf32>
    %convert_element_type3A = arith.truncf %get3A_1 : vector<512x1024xf32> to vector<512x1024xbf16>
    %get3A_2 = arith.constant 0 : index
    %get3A_3 = arith.constant 0 : index
    %get3A_4 = vector.load %arg2[%get3A_2, %get3A_3] : memref<3072x1024xf32, #tpu.memory_space<vmem>>, vector<3072x1024xf32>
    %convert_element_type3A_5 = arith.truncf %get3A_4 : vector<3072x1024xf32> to vector<3072x1024xbf16>
    %dot_general3A = arith.constant dense<0.000000e+00> : vector<512x3072xf32>
    %dot_general3A_6 = tpu.matmul %convert_element_type3A, %convert_element_type3A_5, %dot_general3A {dimension_numbers = #tpu.dot_dimension_numbers<[1], [1], [0], [0], [0, 0, 1, 0], [], []>, transpose_lhs_hint = false} : vector<512x1024xbf16>, vector<3072x1024xbf16>, vector<512x3072xf32> -> vector<512x3072xf32>
    %slice3A = vector.extract_strided_slice %dot_general3A_6 {offsets = [0, 0], sizes = [512, 1024], strides = [1, 1]} : vector<512x3072xf32> to vector<512x1024xf32>
    %integer_pow3A = arith.mulf %slice3A, %slice3A : vector<512x1024xf32>
    %reshape3A = vector.shape_cast %integer_pow3A : vector<512x1024xf32> to vector<512x16x64xf32>
    %reduce_sum3A = arith.constant dense<0.000000e+00> : vector<512x16xf32>
    %reduce_sum3A_7 = vector.multi_reduction <add>, %reshape3A, %reduce_sum3A [2] : vector<512x16x64xf32> to vector<512x16xf32>
    %sqrt3A = math.sqrt %reduce_sum3A_7 : vector<512x16xf32>
    %transpose3A = tpu.transpose %sqrt3A, [1, 0] : vector<512x16xf32> -> vector<16x512xf32>
    %swap3A = arith.constant 0 : index
    %swap3A_8 = arith.constant 0 : index
    %swap3A_9 = vector.load %arg4[%swap3A, %swap3A_8] : memref<16x512xf32, #tpu.memory_space<vmem>>, vector<16x512xf32>
    tpu.vector_store %arg4[%swap3A, %swap3A_8], %transpose3A {strides = array<i32>} : memref<16x512xf32, #tpu.memory_space<vmem>>, vector<16x512xf32>,
    %convert_element_type3A_10 = arith.truncf %dot_general3A_6 : vector<512x3072xf32> to vector<512x3072xbf16>
    %swap3A_11 = arith.constant 0 : index
    %swap3A_12 = arith.constant 0 : index
    %swap3A_13 = vector.load %arg3[%swap3A_11, %swap3A_12] : memref<512x3072xbf16, #tpu.memory_space<vmem>>, vector<512x3072xbf16>
    tpu.vector_store %arg3[%swap3A_11, %swap3A_12], %convert_element_type3A_10 {strides = array<i32>} : memref<512x3072xbf16, #tpu.memory_space<vmem>>, vector<512x3072xbf16>,
    return
  }
  func.func @transform_0(%arg0: i32) -> (i32, i32) {
    %c0_i32 = arith.constant 0 : i32
    %c0_i32_0 = arith.constant 0 : i32
    return %arg0, %c0_i32 : i32, i32
  }
  func.func @transform_1(%arg0: i32) -> (i32, i32) {
    %c0_i32 = arith.constant 0 : i32
    %c0_i32_0 = arith.constant 0 : i32
    %c0_i32_1 = arith.constant 0 : i32
    return %c0_i32, %c0_i32_0 : i32, i32
  }
  func.func @transform_2(%arg0: i32) -> (i32, i32) {
    %c0_i32 = arith.constant 0 : i32
    %c0_i32_0 = arith.constant 0 : i32
    return %arg0, %c0_i32 : i32, i32
  }
  func.func @transform_3(%arg0: i32) -> (i32, i32) {
    %jit3A = arith.constant 4 : i32
    %div3A = arith.divsi %arg0, %jit3A : i32
    %sign3A = arith.constant 0 : i32
    %sign3A_0 = arith.cmpi sgt, %arg0, %sign3A : i32
    %sign3A_1 = arith.extui %sign3A_0 : i1 to i32
    %sign3A_2 = arith.constant 0 : i32
    %sign3A_3 = arith.cmpi slt, %arg0, %sign3A_2 : i32
    %sign3A_4 = arith.extui %sign3A_3 : i1 to i32
    %sign3A_5 = arith.subi %sign3A_1, %sign3A_4 : i32
    %sign3A_6 = arith.constant 0 : i32
    %sign3A_7 = arith.cmpi sgt, %jit3A, %sign3A_6 : i32
    %sign3A_8 = arith.extui %sign3A_7 : i1 to i32
    %sign3A_9 = arith.constant 0 : i32
    %sign3A_10 = arith.cmpi slt, %jit3A, %sign3A_9 : i32
    %sign3A_11 = arith.extui %sign3A_10 : i1 to i32
    %sign3A_12 = arith.subi %sign3A_8, %sign3A_11 : i32
    %ne3A = arith.cmpi ne, %sign3A_5, %sign3A_12 : i32
    %rem3A = arith.remsi %arg0, %jit3A : i32
    %ne3A_13 = arith.constant 0 : i32
    %ne3A_14 = arith.cmpi ne, %rem3A, %ne3A_13 : i32
    %and3A = arith.andi %ne3A, %ne3A_14 : i1
    %sub3A = arith.constant 1 : i32
    %sub3A_15 = arith.subi %div3A, %sub3A : i32
    %select_n3A = arith.select %and3A, %sub3A_15, %div3A : i32
    %jit3A_16 = arith.constant 4 : i32
    %eq3A = arith.constant 0 : i32
    %eq3A_17 = arith.cmpi eq, %jit3A_16, %eq3A : i32
    %jit3A_18 = arith.constant 1 : i32
    %select_n3A_19 = arith.select %eq3A_17, %jit3A_18, %jit3A_16 : i32
    %rem3A_20 = arith.remsi %arg0, %select_n3A_19 : i32
    %ne3A_21 = arith.constant 0 : i32
    %ne3A_22 = arith.cmpi ne, %rem3A_20, %ne3A_21 : i32
    %lt3A = arith.constant 0 : i32
    %lt3A_23 = arith.cmpi slt, %rem3A_20, %lt3A : i32
    %lt3A_24 = arith.constant 0 : i32
    %lt3A_25 = arith.cmpi slt, %select_n3A_19, %lt3A_24 : i32
    %ne3A_26 = arith.xori %lt3A_23, %lt3A_25 : i1
    %and3A_27 = arith.andi %ne3A_26, %ne3A_22 : i1
    %add3A = arith.addi %rem3A_20, %select_n3A_19 : i32
    %select_n3A_28 = arith.select %and3A_27, %add3A, %rem3A_20 : i32
    %c0_i32 = arith.constant 0 : i32
    return %select_n3A, %select_n3A_28 : i32, i32
  }
}

module attributes {stable_mosaic.version = 14 : i64} {
  func.func @_attn_kernel(%arg0: i32, %arg1: i32, %arg2: i32, %arg3: memref<512x128xbf16, #tpu.memory_space<vmem>>, %arg4: memref<2x1024x64xbf16, #tpu.memory_space<vmem>>, %arg5: memref<2x1024x64xbf16, #tpu.memory_space<vmem>>, %arg6: memref<512x128xbf16, #tpu.memory_space<vmem>>) attributes {dimension_semantics = [#tpu.dimension_semantics<arbitrary>, #tpu.dimension_semantics<arbitrary>, #tpu.dimension_semantics<arbitrary>], iteration_bounds = array<i64: 2, 8, 4>, scalar_prefetch = 0 : i64, scratch_operands = 0 : i64, tpu.core_type = #tpu.core_type<tc>, window_params = [{transform_indices = @transform_0, window_bounds = array<i64: 512, 128>}, {transform_indices = @transform_1, window_bounds = array<i64: 2, 1024, 64>}, {transform_indices = @transform_2, window_bounds = array<i64: 2, 1024, 64>}, {transform_indices = @transform_3, window_bounds = array<i64: 512, 128>}]} {
    %get3A = arith.constant 0 : index
    %get3A_0 = arith.constant 0 : index
    %get3A_1 = vector.load %arg3[%get3A, %get3A_0] : memref<512x128xbf16, #tpu.memory_space<vmem>>, vector<512x64xbf16>
    %get3A_2 = arith.constant 0 : index
    %get3A_3 = arith.constant 0 : index
    %get3A_4 = arith.constant 0 : index
    %get3A_5 = vector.load %arg4[%get3A_2, %get3A_3, %get3A_4] : memref<2x1024x64xbf16, #tpu.memory_space<vmem>>, vector<1x1024x64xbf16>
    %get3A_6 = vector.shape_cast %get3A_5 : vector<1x1024x64xbf16> to vector<1024x64xbf16>
    %dot_general3A = arith.constant dense<0.000000e+00> : vector<512x1024xf32>
    %dot_general3A_7 = tpu.matmul %get3A_1, %get3A_6, %dot_general3A {dimension_numbers = #tpu.dot_dimension_numbers<[1], [1], [0], [0], [0, 0, 1, 0], [], []>, transpose_lhs_hint = false} : vector<512x64xbf16>, vector<1024x64xbf16>, vector<512x1024xf32> -> vector<512x1024xf32>
    %mul3A = arith.constant 1.250000e-01 : f32
    %mul3A_8 = vector.broadcast %mul3A : f32 to vector<512x1024xf32>
    %mul3A_9 = arith.mulf %dot_general3A_7, %mul3A_8 : vector<512x1024xf32>
    %jit3A = arith.constant -5.000000e+01 : f32
    %jit3A_10 = arith.constant 5.000000e+01 : f32
    %max3A = vector.broadcast %jit3A : f32 to vector<512x1024xf32>
    %max3A_11 = arith.maximumf %max3A, %mul3A_9 : vector<512x1024xf32>
    %min3A = vector.broadcast %jit3A_10 : f32 to vector<512x1024xf32>
    %min3A_12 = arith.minimumf %min3A, %max3A_11 : vector<512x1024xf32>
    %reduce_max3A = arith.constant dense<0xFF800000> : vector<512xf32>
    %reduce_max3A_13 = vector.multi_reduction <maximumf>, %min3A_12, %reduce_max3A [1] : vector<512x1024xf32> to vector<512xf32>
    %broadcast_in_dim3A = vector.shape_cast %reduce_max3A_13 : vector<512xf32> to vector<512x1xf32>
    %sub3A = vector.broadcast %broadcast_in_dim3A : vector<512x1xf32> to vector<512x1024xf32>
    %sub3A_14 = arith.subf %min3A_12, %sub3A : vector<512x1024xf32>
    %exp3A = math.exp %sub3A_14 : vector<512x1024xf32>
    %reduce_sum3A = arith.constant dense<0.000000e+00> : vector<512xf32>
    %reduce_sum3A_15 = vector.multi_reduction <add>, %exp3A, %reduce_sum3A [1] : vector<512x1024xf32> to vector<512xf32>
    %broadcast_in_dim3A_16 = vector.shape_cast %reduce_sum3A_15 : vector<512xf32> to vector<512x1xf32>
    %div3A = vector.broadcast %broadcast_in_dim3A_16 : vector<512x1xf32> to vector<512x1024xf32>
    %div3A_17 = arith.divf %exp3A, %div3A : vector<512x1024xf32>
    %convert_element_type3A = arith.truncf %div3A_17 : vector<512x1024xf32> to vector<512x1024xbf16>
    %get3A_18 = arith.constant 0 : index
    %get3A_19 = arith.constant 0 : index
    %get3A_20 = arith.constant 0 : index
    %get3A_21 = vector.load %arg5[%get3A_18, %get3A_19, %get3A_20] : memref<2x1024x64xbf16, #tpu.memory_space<vmem>>, vector<1x1024x64xbf16>
    %get3A_22 = vector.shape_cast %get3A_21 : vector<1x1024x64xbf16> to vector<1024x64xbf16>
    %dot_general3A_23 = arith.constant dense<0.000000e+00> : vector<512x64xf32>
    %dot_general3A_24 = tpu.matmul %convert_element_type3A, %get3A_22, %dot_general3A_23 {dimension_numbers = #tpu.dot_dimension_numbers<[1], [0], [0], [1], [0, 0, 1, 1], [], []>, transpose_lhs_hint = false} : vector<512x1024xbf16>, vector<1024x64xbf16>, vector<512x64xf32> -> vector<512x64xf32>
    %convert_element_type3A_25 = arith.truncf %dot_general3A_24 : vector<512x64xf32> to vector<512x64xbf16>
    %get3A_26 = arith.constant 0 : index
    %get3A_27 = arith.constant 64 : index
    %get3A_28 = vector.load %arg3[%get3A_26, %get3A_27] : memref<512x128xbf16, #tpu.memory_space<vmem>>, vector<512x64xbf16>
    %get3A_29 = arith.constant 1 : index
    %get3A_30 = arith.constant 0 : index
    %get3A_31 = arith.constant 0 : index
    %get3A_32 = vector.load %arg4[%get3A_29, %get3A_30, %get3A_31] : memref<2x1024x64xbf16, #tpu.memory_space<vmem>>, vector<1x1024x64xbf16>
    %get3A_33 = vector.shape_cast %get3A_32 : vector<1x1024x64xbf16> to vector<1024x64xbf16>
    %dot_general3A_34 = arith.constant dense<0.000000e+00> : vector<512x1024xf32>
    %dot_general3A_35 = tpu.matmul %get3A_28, %get3A_33, %dot_general3A_34 {dimension_numbers = #tpu.dot_dimension_numbers<[1], [1], [0], [0], [0, 0, 1, 0], [], []>, transpose_lhs_hint = false} : vector<512x64xbf16>, vector<1024x64xbf16>, vector<512x1024xf32> -> vector<512x1024xf32>
    %mul3A_36 = arith.constant 1.250000e-01 : f32
    %mul3A_37 = vector.broadcast %mul3A_36 : f32 to vector<512x1024xf32>
    %mul3A_38 = arith.mulf %dot_general3A_35, %mul3A_37 : vector<512x1024xf32>
    %jit3A_39 = arith.constant -5.000000e+01 : f32
    %jit3A_40 = arith.constant 5.000000e+01 : f32
    %max3A_41 = vector.broadcast %jit3A_39 : f32 to vector<512x1024xf32>
    %max3A_42 = arith.maximumf %max3A_41, %mul3A_38 : vector<512x1024xf32>
    %min3A_43 = vector.broadcast %jit3A_40 : f32 to vector<512x1024xf32>
    %min3A_44 = arith.minimumf %min3A_43, %max3A_42 : vector<512x1024xf32>
    %reduce_max3A_45 = arith.constant dense<0xFF800000> : vector<512xf32>
    %reduce_max3A_46 = vector.multi_reduction <maximumf>, %min3A_44, %reduce_max3A_45 [1] : vector<512x1024xf32> to vector<512xf32>
    %broadcast_in_dim3A_47 = vector.shape_cast %reduce_max3A_46 : vector<512xf32> to vector<512x1xf32>
    %sub3A_48 = vector.broadcast %broadcast_in_dim3A_47 : vector<512x1xf32> to vector<512x1024xf32>
    %sub3A_49 = arith.subf %min3A_44, %sub3A_48 : vector<512x1024xf32>
    %exp3A_50 = math.exp %sub3A_49 : vector<512x1024xf32>
    %reduce_sum3A_51 = arith.constant dense<0.000000e+00> : vector<512xf32>
    %reduce_sum3A_52 = vector.multi_reduction <add>, %exp3A_50, %reduce_sum3A_51 [1] : vector<512x1024xf32> to vector<512xf32>
    %broadcast_in_dim3A_53 = vector.shape_cast %reduce_sum3A_52 : vector<512xf32> to vector<512x1xf32>
    %div3A_54 = vector.broadcast %broadcast_in_dim3A_53 : vector<512x1xf32> to vector<512x1024xf32>
    %div3A_55 = arith.divf %exp3A_50, %div3A_54 : vector<512x1024xf32>
    %convert_element_type3A_56 = arith.truncf %div3A_55 : vector<512x1024xf32> to vector<512x1024xbf16>
    %get3A_57 = arith.constant 1 : index
    %get3A_58 = arith.constant 0 : index
    %get3A_59 = arith.constant 0 : index
    %get3A_60 = vector.load %arg5[%get3A_57, %get3A_58, %get3A_59] : memref<2x1024x64xbf16, #tpu.memory_space<vmem>>, vector<1x1024x64xbf16>
    %get3A_61 = vector.shape_cast %get3A_60 : vector<1x1024x64xbf16> to vector<1024x64xbf16>
    %dot_general3A_62 = arith.constant dense<0.000000e+00> : vector<512x64xf32>
    %dot_general3A_63 = tpu.matmul %convert_element_type3A_56, %get3A_61, %dot_general3A_62 {dimension_numbers = #tpu.dot_dimension_numbers<[1], [0], [0], [1], [0, 0, 1, 1], [], []>, transpose_lhs_hint = false} : vector<512x1024xbf16>, vector<1024x64xbf16>, vector<512x64xf32> -> vector<512x64xf32>
    %convert_element_type3A_64 = arith.truncf %dot_general3A_63 : vector<512x64xf32> to vector<512x64xbf16>
    %concatenate3A = tpu.concatenate %convert_element_type3A_25, %convert_element_type3A_64 in 1 : vector<512x64xbf16>, vector<512x64xbf16> -> vector<512x128xbf16>
    %swap3A = arith.constant 0 : index
    %swap3A_65 = arith.constant 0 : index
    %swap3A_66 = vector.load %arg6[%swap3A, %swap3A_65] : memref<512x128xbf16, #tpu.memory_space<vmem>>, vector<512x128xbf16>
    tpu.vector_store %arg6[%swap3A, %swap3A_65], %concatenate3A {strides = array<i32>} : memref<512x128xbf16, #tpu.memory_space<vmem>>, vector<512x128xbf16>,
    return
  }
  func.func @transform_0(%arg0: i32, %arg1: i32, %arg2: i32) -> (i32, i32) {
    %mul3A = arith.constant 4 : i32
    %mul3A_0 = arith.muli %arg0, %mul3A : i32
    %add3A = arith.addi %mul3A_0, %arg2 : i32
    %c0_i32 = arith.constant 0 : i32
    return %add3A, %arg1 : i32, i32
  }
  func.func @transform_1(%arg0: i32, %arg1: i32, %arg2: i32) -> (i32, i32, i32) {
    %mul3A = arith.constant 8 : i32
    %mul3A_0 = arith.muli %arg0, %mul3A : i32
    %add3A = arith.addi %mul3A_0, %arg1 : i32
    %c0_i32 = arith.constant 0 : i32
    %c0_i32_1 = arith.constant 0 : i32
    %c0_i32_2 = arith.constant 0 : i32
    return %add3A, %c0_i32, %c0_i32_1 : i32, i32, i32
  }
  func.func @transform_2(%arg0: i32, %arg1: i32, %arg2: i32) -> (i32, i32, i32) {
    %mul3A = arith.constant 8 : i32
    %mul3A_0 = arith.muli %arg0, %mul3A : i32
    %add3A = arith.addi %mul3A_0, %arg1 : i32
    %c0_i32 = arith.constant 0 : i32
    %c0_i32_1 = arith.constant 0 : i32
    %c0_i32_2 = arith.constant 0 : i32
    return %add3A, %c0_i32, %c0_i32_1 : i32, i32, i32
  }
  func.func @transform_3(%arg0: i32, %arg1: i32, %arg2: i32) -> (i32, i32) {
    %mul3A = arith.constant 4 : i32
    %mul3A_0 = arith.muli %arg0, %mul3A : i32
    %add3A = arith.addi %mul3A_0, %arg2 : i32
    %c0_i32 = arith.constant 0 : i32
    return %add3A, %arg1 : i32, i32
  }
}

module attributes {stable_mosaic.version = 14 : i64} {
  func.func @_proj_kernel(%arg0: i32, %arg1: memref<512x1024xbf16, #tpu.memory_space<vmem>>, %arg2: memref<1024x1024xf32, #tpu.memory_space<vmem>>, %arg3: memref<1x1024xf32, #tpu.memory_space<vmem>>, %arg4: memref<512x1024xf32, #tpu.memory_space<vmem>>) attributes {dimension_semantics = [#tpu.dimension_semantics<arbitrary>], iteration_bounds = array<i64: 8>, scalar_prefetch = 0 : i64, scratch_operands = 0 : i64, tpu.core_type = #tpu.core_type<tc>, window_params = [{transform_indices = @transform_0, window_bounds = array<i64: 512, 1024>}, {pipeline_mode = #tpu.pipeline_mode<synchronous>, transform_indices = @transform_1, window_bounds = array<i64: 1024, 1024>}, {pipeline_mode = #tpu.pipeline_mode<synchronous>, transform_indices = @transform_2, window_bounds = array<i64: 1, 1024>}, {transform_indices = @transform_3, window_bounds = array<i64: 512, 1024>}]} {
    %get3A = arith.constant 0 : index
    %get3A_0 = arith.constant 0 : index
    %get3A_1 = vector.load %arg2[%get3A, %get3A_0] : memref<1024x1024xf32, #tpu.memory_space<vmem>>, vector<1024x1024xf32>
    %convert_element_type3A = arith.truncf %get3A_1 : vector<1024x1024xf32> to vector<1024x1024xbf16>
    %get3A_2 = arith.constant 0 : index
    %get3A_3 = arith.constant 0 : index
    %get3A_4 = vector.load %arg1[%get3A_2, %get3A_3] : memref<512x1024xbf16, #tpu.memory_space<vmem>>, vector<512x1024xbf16>
    %dot_general3A = arith.constant dense<0.000000e+00> : vector<512x1024xf32>
    %dot_general3A_5 = tpu.matmul %get3A_4, %convert_element_type3A, %dot_general3A {dimension_numbers = #tpu.dot_dimension_numbers<[1], [1], [0], [0], [0, 0, 1, 0], [], []>, transpose_lhs_hint = false} : vector<512x1024xbf16>, vector<1024x1024xbf16>, vector<512x1024xf32> -> vector<512x1024xf32>
    %get3A_6 = arith.constant 0 : index
    %get3A_7 = arith.constant 0 : index
    %get3A_8 = vector.load %arg3[%get3A_6, %get3A_7] : memref<1x1024xf32, #tpu.memory_space<vmem>>, vector<1x1024xf32>
    %add3A = vector.broadcast %get3A_8 : vector<1x1024xf32> to vector<512x1024xf32>
    %add3A_9 = arith.addf %dot_general3A_5, %add3A : vector<512x1024xf32>
    %jit3A = arith.constant -1.000000e+01 : f32
    %jit3A_10 = arith.constant 1.000000e+01 : f32
    %max3A = vector.broadcast %jit3A : f32 to vector<512x1024xf32>
    %max3A_11 = arith.maximumf %max3A, %add3A_9 : vector<512x1024xf32>
    %min3A = vector.broadcast %jit3A_10 : f32 to vector<512x1024xf32>
    %min3A_12 = arith.minimumf %min3A, %max3A_11 : vector<512x1024xf32>
    %swap3A = arith.constant 0 : index
    %swap3A_13 = arith.constant 0 : index
    %swap3A_14 = vector.load %arg4[%swap3A, %swap3A_13] : memref<512x1024xf32, #tpu.memory_space<vmem>>, vector<512x1024xf32>
    tpu.vector_store %arg4[%swap3A, %swap3A_13], %min3A_12 {strides = array<i32>} : memref<512x1024xf32, #tpu.memory_space<vmem>>, vector<512x1024xf32>,
    return
  }
  func.func @transform_0(%arg0: i32) -> (i32, i32) {
    %c0_i32 = arith.constant 0 : i32
    %c0_i32_0 = arith.constant 0 : i32
    return %arg0, %c0_i32 : i32, i32
  }
  func.func @transform_1(%arg0: i32) -> (i32, i32) {
    %c0_i32 = arith.constant 0 : i32
    %c0_i32_0 = arith.constant 0 : i32
    %c0_i32_1 = arith.constant 0 : i32
    return %c0_i32, %c0_i32_0 : i32, i32
  }
  func.func @transform_2(%arg0: i32) -> (i32, i32) {
    %c0_i32 = arith.constant 0 : i32
    %c0_i32_0 = arith.constant 0 : i32
    %c0_i32_1 = arith.constant 0 : i32
    return %c0_i32, %c0_i32_0 : i32, i32
  }
  func.func @transform_3(%arg0: i32) -> (i32, i32) {
    %c0_i32 = arith.constant 0 : i32
    %c0_i32_0 = arith.constant 0 : i32
    return %arg0, %c0_i32 : i32, i32
  }
}

</mosaic_0001>

<sc_bundles>
// kernel: kernel.7.cloned.1.call-start
scs
__scs_entry_jumppad:
0x0: {  	(pc) =	sbr.rel $0x88, $3  }
0x1: {  	(tag) =	ssettag $0x0;
	lr =	simm.s32 $0x1  }
0x2: {  	[smem:$0x3F9D] =	sst lr;
	_ =	strace $0xD0000000  }
0x3: {  	_ = 	snop  }
0x4: {  	_ = 	snop  }
0x5: {  	_ = 	snop  }
0x6: {  	_ = 	snop  }
0x7: {  	_ = 	snop  }
__scs_overlays_trampoline_lowered:
0x8: {  	[smem:$0x3FAC] =	sst s0  }
0x9: {  	[smem:$0x3FAD] =	sst s1  }
0xa: {  	[smem:$0x3FAE] =	sst s2  }
0xb: {  	[smem:$0x3FAF] =	sst s3  }
0xc: {  	[smem:$0x3FB0] =	sst s4  }
0xd: {  	[smem:$0x3FB1] =	sst s5  }
0xe: {  	[smem:$0x3FB2] =	sst s6  }
0xf: {  	[smem:$0x3FB3] =	sst s7  }
0x10: {  	[smem:$0x3FB4] =	sst s8  }
0x11: {  	[smem:$0x3FB5] =	sst s9;
	s0 =	simm.s32 @!p0 $0x0  }
0x12: {  	s1 =	sld [smem:$0x3F9B];
	s0 =	simm.s32 @p0 $0x1  }
0x13: {  	[smem:$0x3FB6] =	sst s0;
	s0 =	simm.s32 @!p1 $0x0  }
0x14: {  	s2 =	sld [smem:$0x3F9A];
	s0 =	simm.s32 @p1 $0x1  }
0x15: {  	[smem:$0x3FB7] =	sst s0;
	s0 =	simm.s32 @!p2 $0x0  }
0x16: {  	s3 =	sld [smem:$0x3FDB];
	s0 =	simm.s32 @p2 $0x1  }
0x17: {  	s4 =	simm.s32 $0x1BF5;
	[smem:$0x3FB9] =	sst s0  }
0x18: {  	s0 =	sld [smem:$0x3F9C];
	_ =	swait.ge [sflag:s4], $0x0  }
0x19: {  	s7 =	sld [smem:$0x3F9D]  }
0x1a: {  	s8 =	sadd.s32 $0xFFFFE003, lr  }
0x1b: {  	s9 =	sadd.s32 $0xFFFFFEF7, lr;
	s5 =	simm.s32 $0xFFFFFFFF;
	p2 =	slt.u32 s8, $0xFFFFF086  }
0x1c: {  	p1 =	slt.u32 s9, $0xF7A;
	s5 =	simm.s32 @!p2 $0x0  }
0x1d: {  	s5 =	simm.s32 @p1 $0x1;
	p0 =	seq.s32 s7, s2  }
0x1e: {  	s7 =	smul.u32 @!p0 $0xF7A, s2;
	p2 =	seq.s32 @!p0 s5, $0x0  }
0x1f: {  	s9 =	smul.u32 $0xF7A, s1;
	s8 =	simm.s32 @!p0 $0x1BF5;
	p2 =	por !p2, p0  }
0x20: {  	[sflag:s8] =	ssyncset.s32 @!p0 $0xFFFFF086;
	s6 =	sadd.s32 @!p0 s3, s7;
	s7 =	simm.s32 @!p0 $0x108  }
0x21: {  	s3 =	sadd.s32 s3, s9;
	s6 =	sadd.s32 @!p0 $0x88, s6;
	s7 =	simm.s32 @p2 $0x1082  }
0x22: {  	[simem:s7], [sflag:s8] =	dma.local @!p0 [hbm:s6], $0xF7A  }
0x23: {  	s9 =	sor.u32 $0xD0000000, s2;
	s6 =	simm.s32 $0x108;
	_ =	swait.ge @!p0 [sflag:s8], $0x0  }
0x24: {  	s3 =	sadd.s32 $0x88, s3;
	s6 =	simm.s32 @!p1 $0x1082;
	[sflag:s4] =	ssyncset.s32 $0xFFFFF086  }
0x25: {  	[simem:s6], [sflag:s4] =	dma.local [hbm:s3], $0xF7A  }
0x26: {  	[smem:$0x3F9D] =	sst s1;
	(tag) =	ssettag s2;
	_ =	strace s9  }
0x27: {  	s1 =	sld [smem:$0x3FAD]  }
0x28: {  	s2 =	sld [smem:$0x3FAE]  }
0x29: {  	s4 =	sld [smem:$0x3FB0]  }
0x2a: {  	p0 =	seq.s32 s5, $0x0;
	s5 =	sld [smem:$0x3FB1]  }
0x2b: {  	s6 =	sld [smem:$0x3FB2]  }
0x2c: {  	s7 =	sld [smem:$0x3FB3]  }
0x2d: {  	s3 =	simm.s32 $0x108;
	s8 =	sld [smem:$0x3FB4]  }
0x2e: {  	s3 =	simm.s32 @!p0 $0x1082;
	s9 =	sld [smem:$0x3FB5]  }
0x2f: {  	lr =	sadd.s32 s0, s3;
	s0 =	sld [smem:$0x3FAC]  }
0x30: {  	s3 =	sld [smem:$0x3FAF]  }
0x31: {  	[smem:$0x3FB8] =	sst s10  }
0x32: {  	s10 =	sld [smem:$0x3FB6];
	_ =	sdelay $0x3  }
0x33: {  	p0 =	seq.s32 s10, $0x1;
	s10 =	sld [smem:$0x3FB8];
	_ =	sdelay $0x3  }
0x34: {  	[smem:$0x3FB8] =	sst s10  }
0x35: {  	s10 =	sld [smem:$0x3FB7];
	_ =	sdelay $0x3  }
0x36: {  	p1 =	seq.s32 s10, $0x1;
	s10 =	sld [smem:$0x3FB8];
	_ =	sdelay $0x3  }
0x37: {  	[smem:$0x3FB8] =	sst s10  }
0x38: {  	s10 =	sld [smem:$0x3FB9]  }
0x39: {  	_ = 	snop;
	(pc) =	sbr.ind lr, $3  }
0x3a: {  	_ = 	snop  }
0x3b: {  	_ = 	snop  }
0x3c: {  	p2 =	seq.s32 s10, $0x1;
	s10 =	sld [smem:$0x3FB8]  }
0x3d: {  	_ =	shalt  }
0x3e: {  	_ =	shalt  }
0x3f: {  	_ =	shalt  }
0x40: {  	_ =	shalt  }
0x41: {  	_ =	shalt  }
0x42: {  	_ =	shalt  }
0x43: {  	_ =	shalt  }
0x44: {  	_ =	shalt  }
0x45: {  	_ =	shalt  }
0x46: {  	_ =	shalt  }
0x47: {  	_ =	shalt  }
0x48: {  	_ =	shalt  }
0x49: {  	_ =	shalt  }
0x4a: {  	_ =	shalt  }
0x4b: {  	_ =	shalt  }
0x4c: {  	_ =	shalt  }
0x4d: {  	_ =	shalt  }
0x4e: {  	_ =	shalt  }
0x4f: {  	_ =	shalt  }
0x50: {  	_ =	shalt  }
0x51: {  	_ =	shalt  }
0x52: {  	_ =	shalt  }
0x53: {  	_ =	shalt  }
0x54: {  	_ =	shalt  }
0x55: {  	_ =	shalt  }
0x56: {  	_ =	shalt  }
0x57: {  	_ =	shalt  }
0x58: {  	_ =	shalt  }
0x59: {  	_ =	shalt  }
0x5a: {  	_ =	shalt  }
0x5b: {  	_ =	shalt  }
0x5c: {  	_ =	shalt  }
0x5d: {  	_ =	shalt  }
0x5e: {  	_ =	shalt  }
0x5f: {  	_ =	shalt  }
0x60: {  	_ =	shalt  }
0x61: {  	_ =	shalt  }
0x62: {  	_ =	shalt  }
0x63: {  	_ =	shalt  }
0x64: {  	_ =	shalt  }
0x65: {  	_ =	shalt  }
0x66: {  	_ =	shalt  }
0x67: {  	_ =	shalt  }
0x68: {  	_ =	shalt  }
0x69: {  	_ =	shalt  }
0x6a: {  	_ =	shalt  }
0x6b: {  	_ =	shalt  }
0x6c: {  	_ =	shalt  }
0x6d: {  	_ =	shalt  }
0x6e: {  	_ =	shalt  }
0x6f: {  	_ =	shalt  }
0x70: {  	_ =	shalt  }
0x71: {  	_ =	shalt  }
0x72: {  	_ =	shalt  }
0x73: {  	_ =	shalt  }
0x74: {  	_ =	shalt  }
0x75: {  	_ =	shalt  }
0x76: {  	_ =	shalt  }
0x77: {  	_ =	shalt  }
0x78: {  	_ =	shalt  }
0x79: {  	_ =	shalt  }
0x7a: {  	_ =	shalt  }
0x7b: {  	_ =	shalt  }
0x7c: {  	_ =	shalt  }
0x7d: {  	_ =	shalt  }
0x7e: {  	_ =	shalt  }
0x7f: {  	_ =	shalt  }
0x80: {  	_ =	shalt  }
0x81: {  	_ =	shalt  }
0x82: {  	_ =	shalt  }
0x83: {  	_ =	shalt  }
0x84: {  	_ =	shalt  }
0x85: {  	_ =	shalt  }
0x86: {  	_ =	shalt  }
0x87: {  	_ =	shalt  }
.Lfunc_end0:
.L_simem_size_0:
called_computation_lowered:
.L_overlay_start_0:
0x88: {  	s2 =	sld [smem:$0x3FD9]  }
0x89: {  	s3 =	sld [smem:$0x3FFE];
	_ =	sdelay $0x1  }
0x8a: {  	s1 =	srdreg.scid  }
0x8b: {  	s0 =	sand.u32 $0x1, s1  }
0x8c: {  	s17 =	sshll.u32 s0, $0xA;
	s2 =	sadd.s32 s3, s2  }
0x8d: {  	s2 =	sadd.s32 s2, s17  }
0x8e: {  	[smem:$0x3FC4] =	sst s2  }
0x8f: {  	_ = 	snop  }
0x90: {  	s2 =	sld [smem:$0x3FD0];
	(tm) =	ssettm $0x1  }
0x91: {  	s18 =	sld [smem:$0x3FFB];
	_ =	sdelay $0x3  }
0x92: {  	_ =	strace s18  }
0x93: {  	s3 =	sld [smem:$0x3FFC];
	_ =	sdelay $0x3  }
0x94: {  	_ =	strace s3  }
0x95: {  	s3 =	sld [smem:$0x3FFD];
	_ =	sdelay $0x3  }
0x96: {  	_ =	strace s3  }
0x97: {  	_ =	strace $0x8FFFFFFF  }
0x98: {  	s19 =	sld [smem:$0x3FDB];
	_ =	sdelay $0x1  }
0x99: {  	s4 =	simm.s32 $_scs_section_size  }
0x9a: {  	s5 =	simm.s32 $_size__tile_overlayer_lowered;
	s6 =	simm.s32 $_tile_overlayer_lowered  }
0x9b: {  	s22 =	simm.s32 $0x1BFF;
	s21 =	sshll.u32 s6, $0x1;
	s3 =	sadd.s32 s4, s19  }
0x9c: {  	s7 =	simm.s32 $0x0;
	s20 =	sshll.u32 s5, $0x1;
	s5 =	sadd.s32 s21, s3  }
0x9d: {  	[timem:s7], [sflag:s22] =	dma.local [hbm:s5], s20  }
0x9e: {  	_ =	swait.ge [sflag:s22], s20  }
0x9f: {  	s4 =	ssub.s32 $0x0, s20;
	[sflag:s22] =	ssyncset.done $0x0  }
0xa0: {  	[sflag:s22] =	ssyncadd.s32 s4;
	_ =	sdelay $0x1  }
0xa1: {  	s23 =	simm.s32 $0x1B8B  }
0xa2: {  	_ =	swait.ge [sflag:s23], $0x1  }
0xa3: {  	[sflag:s23] =	ssyncset.done $0x0  }
0xa4: {  	s25 =	simm.s32 $0x1B8E;
	s24 =	sld [smem:$0x3FFE];
	[sflag:s23] =	ssyncadd.s32 $0xFFFFFFFF  }
0xa5: {  	s26 =	simm.s32 $execute0_lowered;
	[smem:$0x3FD2] =	sst s25  }
0xa6: {  	s5 =	sshll.u32 s26, $0x1;
	_ =	strace $0x80000046;
	[dreg:$0x1] =	wrdreg $0xFFFFFFFF  }
0xa7: {  	s28 =	simm.s32 $_size_execute0_lowered;
	s3 =	sadd.s32 s3, s5;
	[dreg:$0x0] =	wrdreg $0x0  }
0xa8: {  	s5 =	sshll.u32 s28, $0x1;
	[dreg:$0x2] =	wrdreg s3  }
0xa9: {  	[dreg:$0x3] =	wrdreg s5  }
0xaa: {  	[dreg:$0x4] =	wrdreg $0xC0  }
0xab: {  	_ =	task [dreg:s7], $0x5FFFF  }
0xac: {  	[dreg:$0x1] =	wrdreg $0xFFFFFFFF  }
0xad: {  	[dreg:$0x0] =	wrdreg $0x60  }
0xae: {  	[dreg:$0x2] =	wrdreg s24  }
0xaf: {  	[dreg:$0x3] =	wrdreg s2  }
0xb0: {  	[dreg:$0x4] =	wrdreg $0x9  }
0xb1: {  	_ =	task.clear_ibuf [dreg:s7], $0x5FFFF;
	_ =	strace $0x90000046  }
0xb2: {  	s29 =	simm.s32 $0x9;
	_ =	strace $0x80000048  }
0xb3: {  	_ =	swait.ge [sflag:s29], $0x1  }
0xb4: {  	[sflag:s29] =	ssyncadd.s32 $0xFFFFFFFF  }
0xb5: {  	_ =	strace $0x90000048  }
0xb6: {  	_ =	sfence  }
0xb7: {  	s30 =	sld [smem:$0x0];
	_ =	sdelay $0x2  }
0xb8: {  	s31 =	sshll.u32 s1, $0xD;
	s1 =	sshrl.u32 s1, $0x2  }
0xb9: {  	s3 =	sand.u32 $0x4000, s31;
	s1 =	sadd.s32 s1, s30  }
0xba: {  	s0 =	sor.u32 s3, s0;
	s1 =	sshll.u32 s1, $0x11  }
0xbb: {  	s0 =	sor.u32 s1, s0  }
0xbc: {  	s0 =	sadd.s32 $0x8F2B, s0  }
0xbd: {  	[sflag:s0] =	ssyncadd.remote.s32 $0x1  }
0xbe: {  	_ =	sfence.sel $0xFFFF  }
0xbf: {  	[dreg:$0x0] =	wrdreg $0xFFFFFFFF;
	(pc) =	sbr.abs _section_cstart, $3  }
0xc0: {  	[dreg:$0x1] =	wrdreg $0xFFFFFFFF  }
0xc1: {  	_ =	task.clear_ibuf [dreg:s7], $0x2FFFF;
	_ =	strace $0x9FFFFFFF  }
0xc2: {  	(tm) =	ssettm $0x7FFFFFFF  }
0xc3: {  	_ =	shalt  }
tec
execute0_lowered:
.L_overlay_start_1:
0x0: {  	(tag) =	ssettag $0x1  }
0x1: {  	s3 =	srdreg.scid  }
0x2: {  	s13 =	rddreg [dreg:$0x0];
	s1 =	stileid.u32;
	s14 =	sand.u32 $0x1, s3  }
0x3: {  	s2 =	rddreg [dreg:$0x1];
	s4 =	sshll.u32 s1, $0x9;
	s5 =	sshll.u32 s14, $0x8  }
0x4: {  	s0 =	rddreg [dreg:$0x2];
	s3 =	simm.s32 $0x0;
	s4 =	sor.u32 s5, s4  }
0x5: {  	s6 =	simm.s32 $0x3;
	[smem:$0x7FF] =	sst s3;
	s12 =	sadd.s32 s4, s13  }
0x6: {  	_ =	strace $0x80000047;
	s5 =	simm.s32 $0x800;
	s4 =	sadd.s32 $0xC1200, s12  }
0x7: {  	[tilespmem:s5], [sflag:$0x3] =	stream.linear.gather [hbm4b:s4+s3], $0x800, $0x38;
	[tilespmem:$0x11000] =	vst v63  }
0x8: {  	_ =	swait.ge [sflag:s6], $0x800  }
0x9: {  	[sflag:s6] =	ssyncset.done $0x0  }
0xa: {  	s7 =	sadd.s32 $0xC5200, s12;
	[sflag:s6] =	ssyncadd.s32 $0xFFFFF800  }
0xb: {  	[tilespmem:s3], [sflag:$0x3] =	stream.linear.gather [hbm4b:s7+s3], $0x800, $0x38;
	[tilespmem:$0x11000] =	vst v63  }
0xc: {  	_ =	swait.ge [sflag:s6], $0x800  }
0xd: {  	s9 =	simm.s32 $0x1000;
	[sflag:s6] =	ssyncset.done $0x0  }
0xe: {  	s10 =	simm.s32 $0x1;
	s8 =	sadd.s32 $0x3C7200, s13;
	[sflag:s6] =	ssyncadd.s32 $0xFFFFF800  }
0xf: {  	[tilespmem:s9], [sflag:$0x1] =	stream.indirect.gather [hbm4b:s8+s5], $0x20, s3, s5, $0xb8;
	[tilespmem:$0x11000] =	vst v63  }
0x10: {  	_ =	swait.ge [sflag:s10], $0x10000  }
0x11: {  	[sflag:s10] =	ssyncset.done $0x0  }
0x12: {  	s11 =	simm.s32 $0x2;
	[sflag:s10] =	ssyncadd.s32 $0xFFFF0000  }
0x13: {  	[hbm4b:s2+s5] =	stream.indirect.scatter [tilespmem:s9], [sflag:$0x2], $0x20, s5, s5, $0xb8;
	[tilespmem:$0x11000] =	vst v63  }
0x14: {  	_ =	swait.ge [sflag:s11], $0x10000  }
0x15: {  	[sflag:s11] =	ssyncset.done $0x0  }
0x16: {  	s14 =	ssub.s32 $0x2, s14;
	s12 =	sadd.s32 $0xC3200, s12;
	[sflag:s11] =	ssyncadd.s32 $0xFFFF0000  }
0x17: {  	[tilespmem:s3], [sflag:$0x3] =	stream.linear.gather [hbm4b:s12+s3], $0x800, $0x38;
	[tilespmem:$0x11000] =	vst v63  }
0x18: {  	s15 =	sshrl.u32 s14, $0x1;
	_ =	swait.ge [sflag:s6], $0x800  }
0x19: {  	s14 =	ssub.s32 s14, s15;
	[sflag:s6] =	ssyncset.done $0x0  }
0x1a: {  	s14 =	smax.u32 s14, $0x1;
	[sflag:s6] =	ssyncadd.s32 $0xFFFFF800  }
0x1b: {  	[tilespmem:s9], [sflag:$0x1] =	stream.indirect.gather [hbm4b:s8+s5], $0x20, s3, s5, $0xb8;
	[tilespmem:$0x11000] =	vst v63  }
0x1c: {  	p0 =	sne.s32 s14, $0x1;
	_ =	swait.ge [sflag:s10], $0x10000  }
.Ltmp0:
0x1d: {  	[sflag:s10] =	ssyncset.done $0x0;
	(pc) =	sbr.rel @!p0 .LBB2_2-.Ltmp0, $4  }
0x1e: {  	s13 =	sadd.s32 $0xC7200, s13;
	[sflag:s10] =	ssyncadd.s32 $0xFFFF0000  }
0x1f: {  	[hbm4b:s13+s5] =	stream.indirect.scatter [tilespmem:s9], [sflag:$0x2], $0x20, s5, s5, $0xb8;
	[tilespmem:$0x11000] =	vst v63  }
0x20: {  	_ =	swait.ge [sflag:s11], $0x10000  }
0x21: {  	s14 =	sadd.s32 $0xFFFFFFFF, s14;
	[sflag:s11] =	ssyncset.done $0x0  }
.LBB2_1:
0x22: {  	p0 =	sne.s32 s14, $0x1;
	s14 =	sadd.s32 $0xFFFFFFFF, s14;
	[sflag:s11] =	ssyncadd.s32 $0xFFFF0000  }
0x23: {  	[tilespmem:s5], [sflag:$0x3] =	stream.linear.gather [hbm4b:s4+s3], $0x800, $0x38;
	[tilespmem:$0x11000] =	vst v63  }
0x24: {  	_ =	swait.ge [sflag:s6], $0x800  }
0x25: {  	[sflag:s6] =	ssyncset.done $0x0  }
0x26: {  	[sflag:s6] =	ssyncadd.s32 $0xFFFFF800  }
0x27: {  	[tilespmem:s3], [sflag:$0x3] =	stream.linear.gather [hbm4b:s7+s3], $0x800, $0x38;
	[tilespmem:$0x11000] =	vst v63  }
0x28: {  	_ =	swait.ge [sflag:s6], $0x800  }
0x29: {  	[sflag:s6] =	ssyncset.done $0x0  }
0x2a: {  	[sflag:s6] =	ssyncadd.s32 $0xFFFFF800  }
0x2b: {  	[tilespmem:s9], [sflag:$0x1] =	stream.indirect.gather [hbm4b:s8+s5], $0x20, s3, s5, $0xb8;
	[tilespmem:$0x11000] =	vst v63  }
0x2c: {  	_ =	swait.ge [sflag:s10], $0x10000  }
0x2d: {  	[sflag:s10] =	ssyncset.done $0x0  }
0x2e: {  	[sflag:s10] =	ssyncadd.s32 $0xFFFF0000  }
0x2f: {  	[hbm4b:s2+s5] =	stream.indirect.scatter [tilespmem:s9], [sflag:$0x2], $0x20, s5, s5, $0xb8;
	[tilespmem:$0x11000] =	vst v63  }
0x30: {  	_ =	swait.ge [sflag:s11], $0x10000  }
0x31: {  	[sflag:s11] =	ssyncset.done $0x0  }
0x32: {  	[sflag:s11] =	ssyncadd.s32 $0xFFFF0000  }
0x33: {  	[tilespmem:s3], [sflag:$0x3] =	stream.linear.gather [hbm4b:s12+s3], $0x800, $0x38;
	[tilespmem:$0x11000] =	vst v63  }
0x34: {  	_ =	swait.ge [sflag:s6], $0x800  }
0x35: {  	[sflag:s6] =	ssyncset.done $0x0  }
0x36: {  	[sflag:s6] =	ssyncadd.s32 $0xFFFFF800  }
0x37: {  	[tilespmem:s9], [sflag:$0x1] =	stream.indirect.gather [hbm4b:s8+s5], $0x20, s3, s5, $0xb8;
	[tilespmem:$0x11000] =	vst v63  }
0x38: {  	_ =	swait.ge [sflag:s10], $0x10000  }
.Ltmp1:
0x39: {  	[sflag:s10] =	ssyncset.done $0x0;
	(pc) =	sbr.rel @p0 .LBB2_1-.Ltmp1, $4  }
0x3a: {  	[sflag:s10] =	ssyncadd.s32 $0xFFFF0000  }
0x3b: {  	[hbm4b:s13+s5] =	stream.indirect.scatter [tilespmem:s9], [sflag:$0x2], $0x20, s5, s5, $0xb8;
	[tilespmem:$0x11000] =	vst v63  }
0x3c: {  	_ =	swait.ge [sflag:s11], $0x10000  }
0x3d: {  	[sflag:s11] =	ssyncset.done $0x0  }
.LBB2_2:
0x3e: {  	[sflag:s11] =	ssyncadd.s32 $0xFFFF0000  }
0x3f: {  	_ =	sfence.sel $0x180000  }
0x40: {  	[bflag:$0x0] =	sbarrier.arrive $0xFFFF  }
0x41: {  	p0 =	sne.s32 s1, $0x0;
	_ =	strace $0x90000047  }
0x42: {  	s0 =	sadd.s32 @!p0 $0x100000, s0;
	[bflag:$0x2] =	sbarrier.arrive $0xFFFF  }
0x43: {  	[sflag:s0] =	ssyncadd.tile.s32 @!p0 $0x1;
	_ =	shalt  }
.Lfunc_end2:
_tile_overlayer_lowered:
.L_overlay_start_2:
0x44: {  	(tag) =	ssettag $0x2  }
0x45: {  	s0 =	rddreg [dreg:$0x0];
	s2 =	stileid.u32  }
0x46: {  	s1 =	rddreg [dreg:$0x1];
	p0 =	sne.s32 s2, $0x0  }
0x47: {  	s3 =	rddreg [dreg:$0x2];
	[bflag:$0x3] =	sbarrier.arrive $0xFFFF;
	s2 =	simm.s32 @!p0 $0x1C03  }
0x48: {  	[timem:s3], [sflag:s2] =	dma.local @!p0 [hbm:s0], s1  }
0x49: {  	s0 =	simm.s32 @!p0 $0x3  }
0x4a: {  	_ =	swait.ge @!p0 [sflag:s0], s1  }
0x4b: {  	s1 =	ssub.s32 @!p0 $0x0, s1;
	[sflag:s0] =	ssyncset.done @!p0 $0x0  }
0x4c: {  	[sflag:s0] =	ssyncadd.s32 @!p0 s1  }
0x4d: {  	[bflag:$0x3] =	sbarrier.arrive $0xFFFF  }
0x4e: {  	_ =	shalt  }

</sc_bundles>
